<compile_context>
chip_gen: v7x
topology: tpu7x:2x2x1
jax: 0.10.2.dev20260603
libtpu: 0.0.44.dev20260713+nightly
codegen_flags: <defaults>
</compile_context>

<pallas_src>
import functools

import jax
import jax.numpy as jnp
from jax import lax
from jax.experimental import pallas as pl
from jax.experimental.pallas import tpu as pltpu
from jax.experimental.pallas import tpu_sc as plsc

VOCAB = 1000
EMB = 128
B = 16384
LANES = 16
IDX_CHUNK = 128


def _make_sc_gather():
    info = plsc.get_sparse_core_info()
    nw = info.num_cores * info.num_subcores
    b_per_w = B // nw
    n_chunks = b_per_w // IDX_CHUNK

    mesh = plsc.VectorSubcoreMesh(core_axis_name="c", subcore_axis_name="s")

    @functools.partial(
        pl.kernel,
        mesh=mesh,
        out_type=jax.ShapeDtypeStruct((B, EMB), jnp.float32),
        scratch_types=[
            pltpu.VMEM((b_per_w,), jnp.int32),
            pltpu.VMEM((n_chunks, IDX_CHUNK), jnp.int32),
            pltpu.VMEM((b_per_w, EMB), jnp.float32),
            pltpu.SemaphoreType.DMA,
            pltpu.SemaphoreType.DMA,
        ],
    )
    def sc_gather(ids_hbm, table_hbm, out_hbm, ids_v, idx_v, rows_v, sem_g,
                  sem_o):
        wid = lax.axis_index("s") * info.num_cores + lax.axis_index("c")
        base = wid * b_per_w
        pltpu.sync_copy(ids_hbm.at[pl.ds(base, b_per_w)], ids_v)
        gathers = []
        for j in range(n_chunks):
            for g in range(IDX_CHUNK // LANES):
                raw = ids_v[pl.ds(j * IDX_CHUNK + g * LANES, LANES)]
                h = raw.astype(jnp.uint32) * jnp.uint32(2654435761)
                idx_v[j, pl.ds(g * LANES, LANES)] = (
                    h % jnp.uint32(VOCAB)).astype(jnp.int32)
            gathers.append(
                pltpu.async_copy(
                    table_hbm.at[idx_v.at[j]],
                    rows_v.at[pl.ds(j * IDX_CHUNK, IDX_CHUNK)],
                    sem_g,
                ))
        outs = []
        for j in range(n_chunks):
            gathers[j].wait()
            outs.append(
                pltpu.async_copy(
                    rows_v.at[pl.ds(j * IDX_CHUNK, IDX_CHUNK)],
                    out_hbm.at[pl.ds(base + j * IDX_CHUNK, IDX_CHUNK)],
                    sem_o,
                ))
        for c in outs:
            c.wait()

    return sc_gather


_sc_gather = _make_sc_gather()

_BLK = 4096


def _tc_body(base_ref, f_ref, w1_ref, b1_ref, w2_ref, b2_ref, w3_ref, b3_ref,
             o_ref):
    h = jnp.maximum(
        jnp.dot(f_ref[...], w1_ref[...], preferred_element_type=jnp.float32)
        + b1_ref[...], 0.0)
    h = jnp.maximum(
        jnp.dot(h, w2_ref[...], preferred_element_type=jnp.float32)
        + b2_ref[...], 0.0)
    feat = jnp.maximum(
        jnp.dot(h, w3_ref[...], preferred_element_type=jnp.float32)
        + b3_ref[...], 0.0)
    c = base_ref[...] + feat
    sq = jnp.sum(c * c, axis=-1, keepdims=True)
    o_ref[...] = c * lax.rsqrt(jnp.maximum(sq, 1e-12))


def _tc_finish(base, feats, W1, b1, W2, b2, W3, b3):
    grid = (B // _BLK,)
    full = lambda shape: pl.BlockSpec(shape, lambda i: (0, 0))
    return pl.pallas_call(
        _tc_body,
        grid=grid,
        in_specs=[
            pl.BlockSpec((_BLK, EMB), lambda i: (i, 0)),
            pl.BlockSpec((_BLK, 10), lambda i: (i, 0)),
            full((10, 64)),
            full((1, 64)),
            full((64, 32)),
            full((1, 32)),
            full((32, EMB)),
            full((1, EMB)),
        ],
        out_specs=pl.BlockSpec((_BLK, EMB), lambda i: (i, 0)),
        out_shape=jax.ShapeDtypeStruct((B, EMB), jnp.float32),
    )(base, feats, W1, b1, W2, b2, W3, b3)


def kernel(engagement_id, engagement_features, emb_table, W1, b1, W2, b2, W3,
           b3):
    base = _sc_gather(engagement_id, emb_table)
    return _tc_finish(base, engagement_features, W1,
                      b1.reshape(1, 64), W2, b2.reshape(1, 32), W3,
                      b3.reshape(1, EMB))

# --- scband reference (transcript-rebuilt; emitter-appended) ---
"""Pipeline reference for scband-engagement-tower-47356309405971 (READ-ONLY COPY).

The authoritative reference and input builder live on the scoring server;
editing this copy changes nothing except your own understanding.
"""

import jax, jax.numpy as jnp
import numpy as np

VOCAB = 1000   # len(engagement_ids) + 1
EMB = 128      # embedding_dimension
B = 16384      # batch

def _hash_ids(ids, num_bins):
    # Emulates tf.keras.layers.Hashing on integer ids (farmhash replaced by a
    # deterministic Knuth multiplicative mix followed by modulo num_bins).
    h = ids.astype(jnp.uint32) * jnp.uint32(2654435761)
    return (h % jnp.uint32(num_bins)).astype(jnp.int32)

def setup_inputs(seed: int = 0) -> dict:
    key = jax.random.key(seed)
    k1, k2, k3, k4, k5, k6 = jax.random.split(key, 6)
    engagement_id = jax.random.randint(k1, (B,), 0, 1000000)
    engagement_features = jax.random.normal(k2, (B, 10), dtype=jnp.float32)
    emb_table = jax.random.normal(k3, (VOCAB, EMB), dtype=jnp.float32) * 0.05
    W1 = jax.random.normal(k4, (10, 64), dtype=jnp.float32) * 0.1
    b1 = jnp.zeros((64,), dtype=jnp.float32)
    W2 = jax.random.normal(k5, (64, 32), dtype=jnp.float32) * 0.1
    b2 = jnp.zeros((32,), dtype=jnp.float32)
    W3 = jax.random.normal(k6, (32, EMB), dtype=jnp.float32) * 0.1
    b3 = jnp.zeros((EMB,), dtype=jnp.float32)
    return {"engagement_id": engagement_id, "engagement_features": engagement_features,
            "emb_table": emb_table, "W1": W1, "b1": b1, "W2": W2, "b2": b2, "W3": W3, "b3": b3}

def reference(engagement_id, engagement_features, emb_table, W1, b1, W2, b2, W3, b3):
    # engagement_index = Hashing(engagement_id)
    idx = _hash_ids(engagement_id, VOCAB)
    # base_embedding = Embedding(engagement_index)  -> SparseCore gather
    base = jnp.take(emb_table, idx, axis=0)
    # feature_processing: Dense(64, relu) -> Dense(32, relu) -> Dense(EMB, relu)
    h = jax.nn.relu(engagement_features @ W1 + b1)
    h = jax.nn.relu(h @ W2 + b2)
    feat = jax.nn.relu(h @ W3 + b3)
    combined = base + feat
    # tf.nn.l2_normalize(combined, axis=-1)
    sq = jnp.sum(combined * combined, axis=-1, keepdims=True)
    return combined * jax.lax.rsqrt(jnp.maximum(sq, 1e-12))

if __name__ == "__main__":
    import jax
    _d = setup_inputs()
    print(jax.jit(kernel)(*tuple(_d.values())))

</pallas_src>

<mosaic_0001>
#map = affine_map<(d0, d1) -> (0)>
#map1 = affine_map<(d0, d1) -> (0, 0)>
module attributes {stable_mosaic.version = 14 : i64} {
  func.func @sc_gather(%arg0: i32, %arg1: i32, %arg2: memref<16384xi32, #tpu.memory_space<hbm>>, %arg3: memref<1000x128xf32, #tpu.memory_space<hbm>>, %arg4: memref<16384x128xf32, #tpu.memory_space<hbm>>, %arg5: memref<512xi32, #tpu.memory_space<vmem>>, %arg6: memref<4x128xi32, #tpu.memory_space<vmem>>, %arg7: memref<512x128xf32, #tpu.memory_space<vmem>>, %arg8: memref<!tpu.dma_semaphore, #tpu.memory_space<semaphore_mem>>, %arg9: memref<!tpu.dma_semaphore, #tpu.memory_space<semaphore_mem>>) attributes {dimension_semantics = [#tpu.dimension_semantics<core_parallel>, #tpu.dimension_semantics<subcore_parallel>], iteration_bounds = array<i64: 2, 16>, scalar_prefetch = 0 : i64, scratch_operands = 5 : i64, tpu.core_type = #tpu.core_type<sc_vector_subcore>, window_params = [{transform_indices = #map}, {transform_indices = #map1}, {transform_indices = #map1}]} {
    %mul3A = arith.constant 2 : i32
    %mul3A_0 = arith.muli %arg1, %mul3A : i32
    %add3A = arith.addi %mul3A_0, %arg0 : i32
    %mul3A_1 = arith.constant 512 : i32
    %mul3A_2 = arith.muli %add3A, %mul3A_1 : i32
    "tpu.region"() ({
      %run_scoped3A = tpu.sem_alloc : memref<!tpu.dma_semaphore, #tpu.memory_space<semaphore_mem>>
      %dma_start3A_1248 = tpu.memref_slice %arg2[%mul3A_2] : memref<16384xi32, #tpu.memory_space<hbm>> -> memref<512xi32, #tpu.memory_space<hbm>>
      %dma_start3A_1249 = tpu.memref_slice %arg2[%mul3A_2] : memref<16384xi32, #tpu.memory_space<hbm>> -> memref<512xi32, #tpu.memory_space<hbm>>
      tpu.enqueue_dma source(%dma_start3A_1249 : memref<512xi32, #tpu.memory_space<hbm>>) target(%arg5 : memref<512xi32, #tpu.memory_space<vmem>>) target_semaphore(%run_scoped3A : memref<!tpu.dma_semaphore, #tpu.memory_space<semaphore_mem>>)
      %dma_wait3A_1250 = tpu.memref_slice %arg2[%mul3A_2] : memref<16384xi32, #tpu.memory_space<hbm>> -> memref<512xi32, #tpu.memory_space<hbm>>
      %dma_wait3A_1251 = tpu.memref_slice %arg2[%mul3A_2] : memref<16384xi32, #tpu.memory_space<hbm>> -> memref<512xi32, #tpu.memory_space<hbm>>
      tpu.wait_dma2 semaphore(%run_scoped3A : memref<!tpu.dma_semaphore, #tpu.memory_space<semaphore_mem>>) src(%dma_wait3A_1251 : memref<512xi32, #tpu.memory_space<hbm>>) dst(%arg5 : memref<512xi32, #tpu.memory_space<vmem>>)
      tpu.yield
    }) : () -> ()
    %get3A = arith.constant 0 : index
    %get3A_3 = tpu.vector_load %arg5[%get3A] {strides = array<i32>} : memref<512xi32, #tpu.memory_space<vmem>>, vector<16xi32>,
    %get3A_4 = vector.shape_cast %get3A_3 : vector<16xi32> to vector<16xi32>
    %mul3A_5 = arith.constant -1640531535 : i32
    %mul3A_6 = vector.broadcast %mul3A_5 : i32 to vector<16xi32>
    %mul3A_7 = arith.muli %get3A_4, %mul3A_6 : vector<16xi32>
    %jit3A = arith.constant 1000 : i32
    %eq3A = arith.constant 0 : i32
    %eq3A_8 = arith.cmpi eq, %jit3A, %eq3A : i32
    %jit3A_9 = arith.constant 1 : i32
    %select_n3A = arith.select %eq3A_8, %jit3A_9, %jit3A : i32
    %rem3A = vector.broadcast %select_n3A : i32 to vector<16xi32>
    %rem3A_10 = arith.remui %mul3A_7, %rem3A : vector<16xi32>
    %ne3A = arith.constant 0 : i32
    %ne3A_11 = vector.broadcast %ne3A : i32 to vector<16xi32>
    %ne3A_12 = arith.cmpi ne, %rem3A_10, %ne3A_11 : vector<16xi32>
    %lt3A = arith.constant 0 : i32
    %lt3A_13 = vector.broadcast %lt3A : i32 to vector<16xi32>
    %lt3A_14 = arith.cmpi ult, %rem3A_10, %lt3A_13 : vector<16xi32>
    %lt3A_15 = arith.constant 0 : i32
    %lt3A_16 = arith.cmpi ult, %select_n3A, %lt3A_15 : i32
    %ne3A_17 = vector.broadcast %lt3A_16 : i1 to vector<16xi1>
    %ne3A_18 = vector.broadcast %ne3A_17 : vector<16xi1> to vector<16xi1>
    %ne3A_19 = arith.xori %lt3A_14, %ne3A_18 : vector<16xi1>
    %and3A = arith.andi %ne3A_19, %ne3A_12 : vector<16xi1>
    %add3A_20 = vector.broadcast %select_n3A : i32 to vector<16xi32>
    %add3A_21 = arith.addi %rem3A_10, %add3A_20 : vector<16xi32>
    %select_n3A_22 = arith.select %and3A, %add3A_21, %rem3A_10 : vector<16xi1>, vector<16xi32>
    %swap3A = arith.constant 0 : i32
    %swap3A_23 = arith.index_cast %swap3A : i32 to index
    %swap3A_24 = arith.constant 0 : index
    %swap3A_25 = tpu.vector_load %arg6[%swap3A_23, %swap3A_24] {strides = array<i32>} : memref<4x128xi32, #tpu.memory_space<vmem>>, vector<1x16xi32>,
    %swap3A_26 = vector.shape_cast %swap3A_25 : vector<1x16xi32> to vector<16xi32>
    %swap3A_27 = vector.shape_cast %select_n3A_22 : vector<16xi32> to vector<1x16xi32>
    tpu.vector_store %arg6[%swap3A_23, %swap3A_24], %swap3A_27 {strides = array<i32>} : memref<4x128xi32, #tpu.memory_space<vmem>>, vector<1x16xi32>,
    %get3A_28 = arith.constant 16 : index
    %get3A_29 = tpu.vector_load %arg5[%get3A_28] {strides = array<i32>} : memref<512xi32, #tpu.memory_space<vmem>>, vector<16xi32>,
    %get3A_30 = vector.shape_cast %get3A_29 : vector<16xi32> to vector<16xi32>
    %mul3A_31 = arith.constant -1640531535 : i32
    %mul3A_32 = vector.broadcast %mul3A_31 : i32 to vector<16xi32>
    %mul3A_33 = arith.muli %get3A_30, %mul3A_32 : vector<16xi32>
    %jit3A_34 = arith.constant 1000 : i32
    %eq3A_35 = arith.constant 0 : i32
    %eq3A_36 = arith.cmpi eq, %jit3A_34, %eq3A_35 : i32
    %jit3A_37 = arith.constant 1 : i32
    %select_n3A_38 = arith.select %eq3A_36, %jit3A_37, %jit3A_34 : i32
    %rem3A_39 = vector.broadcast %select_n3A_38 : i32 to vector<16xi32>
    %rem3A_40 = arith.remui %mul3A_33, %rem3A_39 : vector<16xi32>
    %ne3A_41 = arith.constant 0 : i32
    %ne3A_42 = vector.broadcast %ne3A_41 : i32 to vector<16xi32>
    %ne3A_43 = arith.cmpi ne, %rem3A_40, %ne3A_42 : vector<16xi32>
    %lt3A_44 = arith.constant 0 : i32
    %lt3A_45 = vector.broadcast %lt3A_44 : i32 to vector<16xi32>
    %lt3A_46 = arith.cmpi ult, %rem3A_40, %lt3A_45 : vector<16xi32>
    %lt3A_47 = arith.constant 0 : i32
    %lt3A_48 = arith.cmpi ult, %select_n3A_38, %lt3A_47 : i32
    %ne3A_49 = vector.broadcast %lt3A_48 : i1 to vector<16xi1>
    %ne3A_50 = vector.broadcast %ne3A_49 : vector<16xi1> to vector<16xi1>
    %ne3A_51 = arith.xori %lt3A_46, %ne3A_50 : vector<16xi1>
    %and3A_52 = arith.andi %ne3A_51, %ne3A_43 : vector<16xi1>
    %add3A_53 = vector.broadcast %select_n3A_38 : i32 to vector<16xi32>
    %add3A_54 = arith.addi %rem3A_40, %add3A_53 : vector<16xi32>
    %select_n3A_55 = arith.select %and3A_52, %add3A_54, %rem3A_40 : vector<16xi1>, vector<16xi32>
    %swap3A_56 = arith.constant 0 : i32
    %swap3A_57 = arith.index_cast %swap3A_56 : i32 to index
    %swap3A_58 = arith.constant 16 : index
    %swap3A_59 = tpu.vector_load %arg6[%swap3A_57, %swap3A_58] {strides = array<i32>} : memref<4x128xi32, #tpu.memory_space<vmem>>, vector<1x16xi32>,
    %swap3A_60 = vector.shape_cast %swap3A_59 : vector<1x16xi32> to vector<16xi32>
    %swap3A_61 = vector.shape_cast %select_n3A_55 : vector<16xi32> to vector<1x16xi32>
    tpu.vector_store %arg6[%swap3A_57, %swap3A_58], %swap3A_61 {strides = array<i32>} : memref<4x128xi32, #tpu.memory_space<vmem>>, vector<1x16xi32>,
    %get3A_62 = arith.constant 32 : index
    %get3A_63 = tpu.vector_load %arg5[%get3A_62] {strides = array<i32>} : memref<512xi32, #tpu.memory_space<vmem>>, vector<16xi32>,
    %get3A_64 = vector.shape_cast %get3A_63 : vector<16xi32> to vector<16xi32>
    %mul3A_65 = arith.constant -1640531535 : i32
    %mul3A_66 = vector.broadcast %mul3A_65 : i32 to vector<16xi32>
    %mul3A_67 = arith.muli %get3A_64, %mul3A_66 : vector<16xi32>
    %jit3A_68 = arith.constant 1000 : i32
    %eq3A_69 = arith.constant 0 : i32
    %eq3A_70 = arith.cmpi eq, %jit3A_68, %eq3A_69 : i32
    %jit3A_71 = arith.constant 1 : i32
    %select_n3A_72 = arith.select %eq3A_70, %jit3A_71, %jit3A_68 : i32
    %rem3A_73 = vector.broadcast %select_n3A_72 : i32 to vector<16xi32>
    %rem3A_74 = arith.remui %mul3A_67, %rem3A_73 : vector<16xi32>
    %ne3A_75 = arith.constant 0 : i32
    %ne3A_76 = vector.broadcast %ne3A_75 : i32 to vector<16xi32>
    %ne3A_77 = arith.cmpi ne, %rem3A_74, %ne3A_76 : vector<16xi32>
    %lt3A_78 = arith.constant 0 : i32
    %lt3A_79 = vector.broadcast %lt3A_78 : i32 to vector<16xi32>
    %lt3A_80 = arith.cmpi ult, %rem3A_74, %lt3A_79 : vector<16xi32>
    %lt3A_81 = arith.constant 0 : i32
    %lt3A_82 = arith.cmpi ult, %select_n3A_72, %lt3A_81 : i32
    %ne3A_83 = vector.broadcast %lt3A_82 : i1 to vector<16xi1>
    %ne3A_84 = vector.broadcast %ne3A_83 : vector<16xi1> to vector<16xi1>
    %ne3A_85 = arith.xori %lt3A_80, %ne3A_84 : vector<16xi1>
    %and3A_86 = arith.andi %ne3A_85, %ne3A_77 : vector<16xi1>
    %add3A_87 = vector.broadcast %select_n3A_72 : i32 to vector<16xi32>
    %add3A_88 = arith.addi %rem3A_74, %add3A_87 : vector<16xi32>
    %select_n3A_89 = arith.select %and3A_86, %add3A_88, %rem3A_74 : vector<16xi1>, vector<16xi32>
    %swap3A_90 = arith.constant 0 : i32
    %swap3A_91 = arith.index_cast %swap3A_90 : i32 to index
    %swap3A_92 = arith.constant 32 : index
    %swap3A_93 = tpu.vector_load %arg6[%swap3A_91, %swap3A_92] {strides = array<i32>} : memref<4x128xi32, #tpu.memory_space<vmem>>, vector<1x16xi32>,
    %swap3A_94 = vector.shape_cast %swap3A_93 : vector<1x16xi32> to vector<16xi32>
    %swap3A_95 = vector.shape_cast %select_n3A_89 : vector<16xi32> to vector<1x16xi32>
    tpu.vector_store %arg6[%swap3A_91, %swap3A_92], %swap3A_95 {strides = array<i32>} : memref<4x128xi32, #tpu.memory_space<vmem>>, vector<1x16xi32>,
    %get3A_96 = arith.constant 48 : index
    %get3A_97 = tpu.vector_load %arg5[%get3A_96] {strides = array<i32>} : memref<512xi32, #tpu.memory_space<vmem>>, vector<16xi32>,
    %get3A_98 = vector.shape_cast %get3A_97 : vector<16xi32> to vector<16xi32>
    %mul3A_99 = arith.constant -1640531535 : i32
    %mul3A_100 = vector.broadcast %mul3A_99 : i32 to vector<16xi32>
    %mul3A_101 = arith.muli %get3A_98, %mul3A_100 : vector<16xi32>
    %jit3A_102 = arith.constant 1000 : i32
    %eq3A_103 = arith.constant 0 : i32
    %eq3A_104 = arith.cmpi eq, %jit3A_102, %eq3A_103 : i32
    %jit3A_105 = arith.constant 1 : i32
    %select_n3A_106 = arith.select %eq3A_104, %jit3A_105, %jit3A_102 : i32
    %rem3A_107 = vector.broadcast %select_n3A_106 : i32 to vector<16xi32>
    %rem3A_108 = arith.remui %mul3A_101, %rem3A_107 : vector<16xi32>
    %ne3A_109 = arith.constant 0 : i32
    %ne3A_110 = vector.broadcast %ne3A_109 : i32 to vector<16xi32>
    %ne3A_111 = arith.cmpi ne, %rem3A_108, %ne3A_110 : vector<16xi32>
    %lt3A_112 = arith.constant 0 : i32
    %lt3A_113 = vector.broadcast %lt3A_112 : i32 to vector<16xi32>
    %lt3A_114 = arith.cmpi ult, %rem3A_108, %lt3A_113 : vector<16xi32>
    %lt3A_115 = arith.constant 0 : i32
    %lt3A_116 = arith.cmpi ult, %select_n3A_106, %lt3A_115 : i32
    %ne3A_117 = vector.broadcast %lt3A_116 : i1 to vector<16xi1>
    %ne3A_118 = vector.broadcast %ne3A_117 : vector<16xi1> to vector<16xi1>
    %ne3A_119 = arith.xori %lt3A_114, %ne3A_118 : vector<16xi1>
    %and3A_120 = arith.andi %ne3A_119, %ne3A_111 : vector<16xi1>
    %add3A_121 = vector.broadcast %select_n3A_106 : i32 to vector<16xi32>
    %add3A_122 = arith.addi %rem3A_108, %add3A_121 : vector<16xi32>
    %select_n3A_123 = arith.select %and3A_120, %add3A_122, %rem3A_108 : vector<16xi1>, vector<16xi32>
    %swap3A_124 = arith.constant 0 : i32
    %swap3A_125 = arith.index_cast %swap3A_124 : i32 to index
    %swap3A_126 = arith.constant 48 : index
    %swap3A_127 = tpu.vector_load %arg6[%swap3A_125, %swap3A_126] {strides = array<i32>} : memref<4x128xi32, #tpu.memory_space<vmem>>, vector<1x16xi32>,
    %swap3A_128 = vector.shape_cast %swap3A_127 : vector<1x16xi32> to vector<16xi32>
    %swap3A_129 = vector.shape_cast %select_n3A_123 : vector<16xi32> to vector<1x16xi32>
    tpu.vector_store %arg6[%swap3A_125, %swap3A_126], %swap3A_129 {strides = array<i32>} : memref<4x128xi32, #tpu.memory_space<vmem>>, vector<1x16xi32>,
    %get3A_130 = arith.constant 64 : index
    %get3A_131 = tpu.vector_load %arg5[%get3A_130] {strides = array<i32>} : memref<512xi32, #tpu.memory_space<vmem>>, vector<16xi32>,
    %get3A_132 = vector.shape_cast %get3A_131 : vector<16xi32> to vector<16xi32>
    %mul3A_133 = arith.constant -1640531535 : i32
    %mul3A_134 = vector.broadcast %mul3A_133 : i32 to vector<16xi32>
    %mul3A_135 = arith.muli %get3A_132, %mul3A_134 : vector<16xi32>
    %jit3A_136 = arith.constant 1000 : i32
    %eq3A_137 = arith.constant 0 : i32
    %eq3A_138 = arith.cmpi eq, %jit3A_136, %eq3A_137 : i32
    %jit3A_139 = arith.constant 1 : i32
    %select_n3A_140 = arith.select %eq3A_138, %jit3A_139, %jit3A_136 : i32
    %rem3A_141 = vector.broadcast %select_n3A_140 : i32 to vector<16xi32>
    %rem3A_142 = arith.remui %mul3A_135, %rem3A_141 : vector<16xi32>
    %ne3A_143 = arith.constant 0 : i32
    %ne3A_144 = vector.broadcast %ne3A_143 : i32 to vector<16xi32>
    %ne3A_145 = arith.cmpi ne, %rem3A_142, %ne3A_144 : vector<16xi32>
    %lt3A_146 = arith.constant 0 : i32
    %lt3A_147 = vector.broadcast %lt3A_146 : i32 to vector<16xi32>
    %lt3A_148 = arith.cmpi ult, %rem3A_142, %lt3A_147 : vector<16xi32>
    %lt3A_149 = arith.constant 0 : i32
    %lt3A_150 = arith.cmpi ult, %select_n3A_140, %lt3A_149 : i32
    %ne3A_151 = vector.broadcast %lt3A_150 : i1 to vector<16xi1>
    %ne3A_152 = vector.broadcast %ne3A_151 : vector<16xi1> to vector<16xi1>
    %ne3A_153 = arith.xori %lt3A_148, %ne3A_152 : vector<16xi1>
    %and3A_154 = arith.andi %ne3A_153, %ne3A_145 : vector<16xi1>
    %add3A_155 = vector.broadcast %select_n3A_140 : i32 to vector<16xi32>
    %add3A_156 = arith.addi %rem3A_142, %add3A_155 : vector<16xi32>
    %select_n3A_157 = arith.select %and3A_154, %add3A_156, %rem3A_142 : vector<16xi1>, vector<16xi32>
    %swap3A_158 = arith.constant 0 : i32
    %swap3A_159 = arith.index_cast %swap3A_158 : i32 to index
    %swap3A_160 = arith.constant 64 : index
    %swap3A_161 = tpu.vector_load %arg6[%swap3A_159, %swap3A_160] {strides = array<i32>} : memref<4x128xi32, #tpu.memory_space<vmem>>, vector<1x16xi32>,
    %swap3A_162 = vector.shape_cast %swap3A_161 : vector<1x16xi32> to vector<16xi32>
    %swap3A_163 = vector.shape_cast %select_n3A_157 : vector<16xi32> to vector<1x16xi32>
    tpu.vector_store %arg6[%swap3A_159, %swap3A_160], %swap3A_163 {strides = array<i32>} : memref<4x128xi32, #tpu.memory_space<vmem>>, vector<1x16xi32>,
    %get3A_164 = arith.constant 80 : index
    %get3A_165 = tpu.vector_load %arg5[%get3A_164] {strides = array<i32>} : memref<512xi32, #tpu.memory_space<vmem>>, vector<16xi32>,
    %get3A_166 = vector.shape_cast %get3A_165 : vector<16xi32> to vector<16xi32>
    %mul3A_167 = arith.constant -1640531535 : i32
    %mul3A_168 = vector.broadcast %mul3A_167 : i32 to vector<16xi32>
    %mul3A_169 = arith.muli %get3A_166, %mul3A_168 : vector<16xi32>
    %jit3A_170 = arith.constant 1000 : i32
    %eq3A_171 = arith.constant 0 : i32
    %eq3A_172 = arith.cmpi eq, %jit3A_170, %eq3A_171 : i32
    %jit3A_173 = arith.constant 1 : i32
    %select_n3A_174 = arith.select %eq3A_172, %jit3A_173, %jit3A_170 : i32
    %rem3A_175 = vector.broadcast %select_n3A_174 : i32 to vector<16xi32>
    %rem3A_176 = arith.remui %mul3A_169, %rem3A_175 : vector<16xi32>
    %ne3A_177 = arith.constant 0 : i32
    %ne3A_178 = vector.broadcast %ne3A_177 : i32 to vector<16xi32>
    %ne3A_179 = arith.cmpi ne, %rem3A_176, %ne3A_178 : vector<16xi32>
    %lt3A_180 = arith.constant 0 : i32
    %lt3A_181 = vector.broadcast %lt3A_180 : i32 to vector<16xi32>
    %lt3A_182 = arith.cmpi ult, %rem3A_176, %lt3A_181 : vector<16xi32>
    %lt3A_183 = arith.constant 0 : i32
    %lt3A_184 = arith.cmpi ult, %select_n3A_174, %lt3A_183 : i32
    %ne3A_185 = vector.broadcast %lt3A_184 : i1 to vector<16xi1>
    %ne3A_186 = vector.broadcast %ne3A_185 : vector<16xi1> to vector<16xi1>
    %ne3A_187 = arith.xori %lt3A_182, %ne3A_186 : vector<16xi1>
    %and3A_188 = arith.andi %ne3A_187, %ne3A_179 : vector<16xi1>
    %add3A_189 = vector.broadcast %select_n3A_174 : i32 to vector<16xi32>
    %add3A_190 = arith.addi %rem3A_176, %add3A_189 : vector<16xi32>
    %select_n3A_191 = arith.select %and3A_188, %add3A_190, %rem3A_176 : vector<16xi1>, vector<16xi32>
    %swap3A_192 = arith.constant 0 : i32
    %swap3A_193 = arith.index_cast %swap3A_192 : i32 to index
    %swap3A_194 = arith.constant 80 : index
    %swap3A_195 = tpu.vector_load %arg6[%swap3A_193, %swap3A_194] {strides = array<i32>} : memref<4x128xi32, #tpu.memory_space<vmem>>, vector<1x16xi32>,
    %swap3A_196 = vector.shape_cast %swap3A_195 : vector<1x16xi32> to vector<16xi32>
    %swap3A_197 = vector.shape_cast %select_n3A_191 : vector<16xi32> to vector<1x16xi32>
    tpu.vector_store %arg6[%swap3A_193, %swap3A_194], %swap3A_197 {strides = array<i32>} : memref<4x128xi32, #tpu.memory_space<vmem>>, vector<1x16xi32>,
    %get3A_198 = arith.constant 96 : index
    %get3A_199 = tpu.vector_load %arg5[%get3A_198] {strides = array<i32>} : memref<512xi32, #tpu.memory_space<vmem>>, vector<16xi32>,
    %get3A_200 = vector.shape_cast %get3A_199 : vector<16xi32> to vector<16xi32>
    %mul3A_201 = arith.constant -1640531535 : i32
    %mul3A_202 = vector.broadcast %mul3A_201 : i32 to vector<16xi32>
    %mul3A_203 = arith.muli %get3A_200, %mul3A_202 : vector<16xi32>
    %jit3A_204 = arith.constant 1000 : i32
    %eq3A_205 = arith.constant 0 : i32
    %eq3A_206 = arith.cmpi eq, %jit3A_204, %eq3A_205 : i32
    %jit3A_207 = arith.constant 1 : i32
    %select_n3A_208 = arith.select %eq3A_206, %jit3A_207, %jit3A_204 : i32
    %rem3A_209 = vector.broadcast %select_n3A_208 : i32 to vector<16xi32>
    %rem3A_210 = arith.remui %mul3A_203, %rem3A_209 : vector<16xi32>
    %ne3A_211 = arith.constant 0 : i32
    %ne3A_212 = vector.broadcast %ne3A_211 : i32 to vector<16xi32>
    %ne3A_213 = arith.cmpi ne, %rem3A_210, %ne3A_212 : vector<16xi32>
    %lt3A_214 = arith.constant 0 : i32
    %lt3A_215 = vector.broadcast %lt3A_214 : i32 to vector<16xi32>
    %lt3A_216 = arith.cmpi ult, %rem3A_210, %lt3A_215 : vector<16xi32>
    %lt3A_217 = arith.constant 0 : i32
    %lt3A_218 = arith.cmpi ult, %select_n3A_208, %lt3A_217 : i32
    %ne3A_219 = vector.broadcast %lt3A_218 : i1 to vector<16xi1>
    %ne3A_220 = vector.broadcast %ne3A_219 : vector<16xi1> to vector<16xi1>
    %ne3A_221 = arith.xori %lt3A_216, %ne3A_220 : vector<16xi1>
    %and3A_222 = arith.andi %ne3A_221, %ne3A_213 : vector<16xi1>
    %add3A_223 = vector.broadcast %select_n3A_208 : i32 to vector<16xi32>
    %add3A_224 = arith.addi %rem3A_210, %add3A_223 : vector<16xi32>
    %select_n3A_225 = arith.select %and3A_222, %add3A_224, %rem3A_210 : vector<16xi1>, vector<16xi32>
    %swap3A_226 = arith.constant 0 : i32
    %swap3A_227 = arith.index_cast %swap3A_226 : i32 to index
    %swap3A_228 = arith.constant 96 : index
    %swap3A_229 = tpu.vector_load %arg6[%swap3A_227, %swap3A_228] {strides = array<i32>} : memref<4x128xi32, #tpu.memory_space<vmem>>, vector<1x16xi32>,
    %swap3A_230 = vector.shape_cast %swap3A_229 : vector<1x16xi32> to vector<16xi32>
    %swap3A_231 = vector.shape_cast %select_n3A_225 : vector<16xi32> to vector<1x16xi32>
    tpu.vector_store %arg6[%swap3A_227, %swap3A_228], %swap3A_231 {strides = array<i32>} : memref<4x128xi32, #tpu.memory_space<vmem>>, vector<1x16xi32>,
    %get3A_232 = arith.constant 112 : index
    %get3A_233 = tpu.vector_load %arg5[%get3A_232] {strides = array<i32>} : memref<512xi32, #tpu.memory_space<vmem>>, vector<16xi32>,
    %get3A_234 = vector.shape_cast %get3A_233 : vector<16xi32> to vector<16xi32>
    %mul3A_235 = arith.constant -1640531535 : i32
    %mul3A_236 = vector.broadcast %mul3A_235 : i32 to vector<16xi32>
    %mul3A_237 = arith.muli %get3A_234, %mul3A_236 : vector<16xi32>
    %jit3A_238 = arith.constant 1000 : i32
    %eq3A_239 = arith.constant 0 : i32
    %eq3A_240 = arith.cmpi eq, %jit3A_238, %eq3A_239 : i32
    %jit3A_241 = arith.constant 1 : i32
    %select_n3A_242 = arith.select %eq3A_240, %jit3A_241, %jit3A_238 : i32
    %rem3A_243 = vector.broadcast %select_n3A_242 : i32 to vector<16xi32>
    %rem3A_244 = arith.remui %mul3A_237, %rem3A_243 : vector<16xi32>
    %ne3A_245 = arith.constant 0 : i32
    %ne3A_246 = vector.broadcast %ne3A_245 : i32 to vector<16xi32>
    %ne3A_247 = arith.cmpi ne, %rem3A_244, %ne3A_246 : vector<16xi32>
    %lt3A_248 = arith.constant 0 : i32
    %lt3A_249 = vector.broadcast %lt3A_248 : i32 to vector<16xi32>
    %lt3A_250 = arith.cmpi ult, %rem3A_244, %lt3A_249 : vector<16xi32>
    %lt3A_251 = arith.constant 0 : i32
    %lt3A_252 = arith.cmpi ult, %select_n3A_242, %lt3A_251 : i32
    %ne3A_253 = vector.broadcast %lt3A_252 : i1 to vector<16xi1>
    %ne3A_254 = vector.broadcast %ne3A_253 : vector<16xi1> to vector<16xi1>
    %ne3A_255 = arith.xori %lt3A_250, %ne3A_254 : vector<16xi1>
    %and3A_256 = arith.andi %ne3A_255, %ne3A_247 : vector<16xi1>
    %add3A_257 = vector.broadcast %select_n3A_242 : i32 to vector<16xi32>
    %add3A_258 = arith.addi %rem3A_244, %add3A_257 : vector<16xi32>
    %select_n3A_259 = arith.select %and3A_256, %add3A_258, %rem3A_244 : vector<16xi1>, vector<16xi32>
    %swap3A_260 = arith.constant 0 : i32
    %swap3A_261 = arith.index_cast %swap3A_260 : i32 to index
    %swap3A_262 = arith.constant 112 : index
    %swap3A_263 = tpu.vector_load %arg6[%swap3A_261, %swap3A_262] {strides = array<i32>} : memref<4x128xi32, #tpu.memory_space<vmem>>, vector<1x16xi32>,
    %swap3A_264 = vector.shape_cast %swap3A_263 : vector<1x16xi32> to vector<16xi32>
    %swap3A_265 = vector.shape_cast %select_n3A_259 : vector<16xi32> to vector<1x16xi32>
    tpu.vector_store %arg6[%swap3A_261, %swap3A_262], %swap3A_265 {strides = array<i32>} : memref<4x128xi32, #tpu.memory_space<vmem>>, vector<1x16xi32>,
    %dma_start3A = arith.constant 0 : i32
    %dma_start3A_266 = arith.constant 0 : i32
    %dma_start3A_267 = arith.constant 0 : i32
    %dma_start3A_268 = tpu.memref_slice %arg7[%dma_start3A_266, %dma_start3A_267] : memref<512x128xf32, #tpu.memory_space<vmem>> -> memref<128x128xf32, #tpu.memory_space<vmem>>
    %dma_start3A_269 = arith.constant 0 : i32
    %dma_start3A_270 = tpu.memref_slice %arg6[%dma_start3A, %dma_start3A_269] : memref<4x128xi32, #tpu.memory_space<vmem>> -> memref<1x128xi32, #tpu.memory_space<vmem>>
    %dma_start3A_271 = tpu.memref_squeeze %dma_start3A_270 : memref<1x128xi32, #tpu.memory_space<vmem>> -> memref<128xi32, #tpu.memory_space<vmem>>
    %dma_start3A_272 = arith.constant 0 : i32
    %dma_start3A_273 = arith.constant 0 : i32
    %dma_start3A_274 = tpu.memref_slice %arg3[%dma_start3A_272, %dma_start3A_273] : memref<1000x128xf32, #tpu.memory_space<hbm>> -> memref<1000x128xf32, #tpu.memory_space<hbm>>
    tpu.enqueue_indirect_dma source(%dma_start3A_274 : memref<1000x128xf32, #tpu.memory_space<hbm>>) target(%dma_start3A_268 : memref<128x128xf32, #tpu.memory_space<vmem>>) offsets(%dma_start3A_271 : memref<128xi32, #tpu.memory_space<vmem>>) semaphore(%arg8 : memref<!tpu.dma_semaphore, #tpu.memory_space<semaphore_mem>>)
    %get3A_275 = arith.constant 128 : index
    %get3A_276 = tpu.vector_load %arg5[%get3A_275] {strides = array<i32>} : memref<512xi32, #tpu.memory_space<vmem>>, vector<16xi32>,
    %get3A_277 = vector.shape_cast %get3A_276 : vector<16xi32> to vector<16xi32>
    %mul3A_278 = arith.constant -1640531535 : i32
    %mul3A_279 = vector.broadcast %mul3A_278 : i32 to vector<16xi32>
    %mul3A_280 = arith.muli %get3A_277, %mul3A_279 : vector<16xi32>
    %jit3A_281 = arith.constant 1000 : i32
    %eq3A_282 = arith.constant 0 : i32
    %eq3A_283 = arith.cmpi eq, %jit3A_281, %eq3A_282 : i32
    %jit3A_284 = arith.constant 1 : i32
    %select_n3A_285 = arith.select %eq3A_283, %jit3A_284, %jit3A_281 : i32
    %rem3A_286 = vector.broadcast %select_n3A_285 : i32 to vector<16xi32>
    %rem3A_287 = arith.remui %mul3A_280, %rem3A_286 : vector<16xi32>
    %ne3A_288 = arith.constant 0 : i32
    %ne3A_289 = vector.broadcast %ne3A_288 : i32 to vector<16xi32>
    %ne3A_290 = arith.cmpi ne, %rem3A_287, %ne3A_289 : vector<16xi32>
    %lt3A_291 = arith.constant 0 : i32
    %lt3A_292 = vector.broadcast %lt3A_291 : i32 to vector<16xi32>
    %lt3A_293 = arith.cmpi ult, %rem3A_287, %lt3A_292 : vector<16xi32>
    %lt3A_294 = arith.constant 0 : i32
    %lt3A_295 = arith.cmpi ult, %select_n3A_285, %lt3A_294 : i32
    %ne3A_296 = vector.broadcast %lt3A_295 : i1 to vector<16xi1>
    %ne3A_297 = vector.broadcast %ne3A_296 : vector<16xi1> to vector<16xi1>
    %ne3A_298 = arith.xori %lt3A_293, %ne3A_297 : vector<16xi1>
    %and3A_299 = arith.andi %ne3A_298, %ne3A_290 : vector<16xi1>
    %add3A_300 = vector.broadcast %select_n3A_285 : i32 to vector<16xi32>
    %add3A_301 = arith.addi %rem3A_287, %add3A_300 : vector<16xi32>
    %select_n3A_302 = arith.select %and3A_299, %add3A_301, %rem3A_287 : vector<16xi1>, vector<16xi32>
    %swap3A_303 = arith.constant 1 : i32
    %swap3A_304 = arith.index_cast %swap3A_303 : i32 to index
    %swap3A_305 = arith.constant 0 : index
    %swap3A_306 = tpu.vector_load %arg6[%swap3A_304, %swap3A_305] {strides = array<i32>} : memref<4x128xi32, #tpu.memory_space<vmem>>, vector<1x16xi32>,
    %swap3A_307 = vector.shape_cast %swap3A_306 : vector<1x16xi32> to vector<16xi32>
    %swap3A_308 = vector.shape_cast %select_n3A_302 : vector<16xi32> to vector<1x16xi32>
    tpu.vector_store %arg6[%swap3A_304, %swap3A_305], %swap3A_308 {strides = array<i32>} : memref<4x128xi32, #tpu.memory_space<vmem>>, vector<1x16xi32>,
    %get3A_309 = arith.constant 144 : index
    %get3A_310 = tpu.vector_load %arg5[%get3A_309] {strides = array<i32>} : memref<512xi32, #tpu.memory_space<vmem>>, vector<16xi32>,
    %get3A_311 = vector.shape_cast %get3A_310 : vector<16xi32> to vector<16xi32>
    %mul3A_312 = arith.constant -1640531535 : i32
    %mul3A_313 = vector.broadcast %mul3A_312 : i32 to vector<16xi32>
    %mul3A_314 = arith.muli %get3A_311, %mul3A_313 : vector<16xi32>
    %jit3A_315 = arith.constant 1000 : i32
    %eq3A_316 = arith.constant 0 : i32
    %eq3A_317 = arith.cmpi eq, %jit3A_315, %eq3A_316 : i32
    %jit3A_318 = arith.constant 1 : i32
    %select_n3A_319 = arith.select %eq3A_317, %jit3A_318, %jit3A_315 : i32
    %rem3A_320 = vector.broadcast %select_n3A_319 : i32 to vector<16xi32>
    %rem3A_321 = arith.remui %mul3A_314, %rem3A_320 : vector<16xi32>
    %ne3A_322 = arith.constant 0 : i32
    %ne3A_323 = vector.broadcast %ne3A_322 : i32 to vector<16xi32>
    %ne3A_324 = arith.cmpi ne, %rem3A_321, %ne3A_323 : vector<16xi32>
    %lt3A_325 = arith.constant 0 : i32
    %lt3A_326 = vector.broadcast %lt3A_325 : i32 to vector<16xi32>
    %lt3A_327 = arith.cmpi ult, %rem3A_321, %lt3A_326 : vector<16xi32>
    %lt3A_328 = arith.constant 0 : i32
    %lt3A_329 = arith.cmpi ult, %select_n3A_319, %lt3A_328 : i32
    %ne3A_330 = vector.broadcast %lt3A_329 : i1 to vector<16xi1>
    %ne3A_331 = vector.broadcast %ne3A_330 : vector<16xi1> to vector<16xi1>
    %ne3A_332 = arith.xori %lt3A_327, %ne3A_331 : vector<16xi1>
    %and3A_333 = arith.andi %ne3A_332, %ne3A_324 : vector<16xi1>
    %add3A_334 = vector.broadcast %select_n3A_319 : i32 to vector<16xi32>
    %add3A_335 = arith.addi %rem3A_321, %add3A_334 : vector<16xi32>
    %select_n3A_336 = arith.select %and3A_333, %add3A_335, %rem3A_321 : vector<16xi1>, vector<16xi32>
    %swap3A_337 = arith.constant 1 : i32
    %swap3A_338 = arith.index_cast %swap3A_337 : i32 to index
    %swap3A_339 = arith.constant 16 : index
    %swap3A_340 = tpu.vector_load %arg6[%swap3A_338, %swap3A_339] {strides = array<i32>} : memref<4x128xi32, #tpu.memory_space<vmem>>, vector<1x16xi32>,
    %swap3A_341 = vector.shape_cast %swap3A_340 : vector<1x16xi32> to vector<16xi32>
    %swap3A_342 = vector.shape_cast %select_n3A_336 : vector<16xi32> to vector<1x16xi32>
    tpu.vector_store %arg6[%swap3A_338, %swap3A_339], %swap3A_342 {strides = array<i32>} : memref<4x128xi32, #tpu.memory_space<vmem>>, vector<1x16xi32>,
    %get3A_343 = arith.constant 160 : index
    %get3A_344 = tpu.vector_load %arg5[%get3A_343] {strides = array<i32>} : memref<512xi32, #tpu.memory_space<vmem>>, vector<16xi32>,
    %get3A_345 = vector.shape_cast %get3A_344 : vector<16xi32> to vector<16xi32>
    %mul3A_346 = arith.constant -1640531535 : i32
    %mul3A_347 = vector.broadcast %mul3A_346 : i32 to vector<16xi32>
    %mul3A_348 = arith.muli %get3A_345, %mul3A_347 : vector<16xi32>
    %jit3A_349 = arith.constant 1000 : i32
    %eq3A_350 = arith.constant 0 : i32
    %eq3A_351 = arith.cmpi eq, %jit3A_349, %eq3A_350 : i32
    %jit3A_352 = arith.constant 1 : i32
    %select_n3A_353 = arith.select %eq3A_351, %jit3A_352, %jit3A_349 : i32
    %rem3A_354 = vector.broadcast %select_n3A_353 : i32 to vector<16xi32>
    %rem3A_355 = arith.remui %mul3A_348, %rem3A_354 : vector<16xi32>
    %ne3A_356 = arith.constant 0 : i32
    %ne3A_357 = vector.broadcast %ne3A_356 : i32 to vector<16xi32>
    %ne3A_358 = arith.cmpi ne, %rem3A_355, %ne3A_357 : vector<16xi32>
    %lt3A_359 = arith.constant 0 : i32
    %lt3A_360 = vector.broadcast %lt3A_359 : i32 to vector<16xi32>
    %lt3A_361 = arith.cmpi ult, %rem3A_355, %lt3A_360 : vector<16xi32>
    %lt3A_362 = arith.constant 0 : i32
    %lt3A_363 = arith.cmpi ult, %select_n3A_353, %lt3A_362 : i32
    %ne3A_364 = vector.broadcast %lt3A_363 : i1 to vector<16xi1>
    %ne3A_365 = vector.broadcast %ne3A_364 : vector<16xi1> to vector<16xi1>
    %ne3A_366 = arith.xori %lt3A_361, %ne3A_365 : vector<16xi1>
    %and3A_367 = arith.andi %ne3A_366, %ne3A_358 : vector<16xi1>
    %add3A_368 = vector.broadcast %select_n3A_353 : i32 to vector<16xi32>
    %add3A_369 = arith.addi %rem3A_355, %add3A_368 : vector<16xi32>
    %select_n3A_370 = arith.select %and3A_367, %add3A_369, %rem3A_355 : vector<16xi1>, vector<16xi32>
    %swap3A_371 = arith.constant 1 : i32
    %swap3A_372 = arith.index_cast %swap3A_371 : i32 to index
    %swap3A_373 = arith.constant 32 : index
    %swap3A_374 = tpu.vector_load %arg6[%swap3A_372, %swap3A_373] {strides = array<i32>} : memref<4x128xi32, #tpu.memory_space<vmem>>, vector<1x16xi32>,
    %swap3A_375 = vector.shape_cast %swap3A_374 : vector<1x16xi32> to vector<16xi32>
    %swap3A_376 = vector.shape_cast %select_n3A_370 : vector<16xi32> to vector<1x16xi32>
    tpu.vector_store %arg6[%swap3A_372, %swap3A_373], %swap3A_376 {strides = array<i32>} : memref<4x128xi32, #tpu.memory_space<vmem>>, vector<1x16xi32>,
    %get3A_377 = arith.constant 176 : index
    %get3A_378 = tpu.vector_load %arg5[%get3A_377] {strides = array<i32>} : memref<512xi32, #tpu.memory_space<vmem>>, vector<16xi32>,
    %get3A_379 = vector.shape_cast %get3A_378 : vector<16xi32> to vector<16xi32>
    %mul3A_380 = arith.constant -1640531535 : i32
    %mul3A_381 = vector.broadcast %mul3A_380 : i32 to vector<16xi32>
    %mul3A_382 = arith.muli %get3A_379, %mul3A_381 : vector<16xi32>
    %jit3A_383 = arith.constant 1000 : i32
    %eq3A_384 = arith.constant 0 : i32
    %eq3A_385 = arith.cmpi eq, %jit3A_383, %eq3A_384 : i32
    %jit3A_386 = arith.constant 1 : i32
    %select_n3A_387 = arith.select %eq3A_385, %jit3A_386, %jit3A_383 : i32
    %rem3A_388 = vector.broadcast %select_n3A_387 : i32 to vector<16xi32>
    %rem3A_389 = arith.remui %mul3A_382, %rem3A_388 : vector<16xi32>
    %ne3A_390 = arith.constant 0 : i32
    %ne3A_391 = vector.broadcast %ne3A_390 : i32 to vector<16xi32>
    %ne3A_392 = arith.cmpi ne, %rem3A_389, %ne3A_391 : vector<16xi32>
    %lt3A_393 = arith.constant 0 : i32
    %lt3A_394 = vector.broadcast %lt3A_393 : i32 to vector<16xi32>
    %lt3A_395 = arith.cmpi ult, %rem3A_389, %lt3A_394 : vector<16xi32>
    %lt3A_396 = arith.constant 0 : i32
    %lt3A_397 = arith.cmpi ult, %select_n3A_387, %lt3A_396 : i32
    %ne3A_398 = vector.broadcast %lt3A_397 : i1 to vector<16xi1>
    %ne3A_399 = vector.broadcast %ne3A_398 : vector<16xi1> to vector<16xi1>
    %ne3A_400 = arith.xori %lt3A_395, %ne3A_399 : vector<16xi1>
    %and3A_401 = arith.andi %ne3A_400, %ne3A_392 : vector<16xi1>
    %add3A_402 = vector.broadcast %select_n3A_387 : i32 to vector<16xi32>
    %add3A_403 = arith.addi %rem3A_389, %add3A_402 : vector<16xi32>
    %select_n3A_404 = arith.select %and3A_401, %add3A_403, %rem3A_389 : vector<16xi1>, vector<16xi32>
    %swap3A_405 = arith.constant 1 : i32
    %swap3A_406 = arith.index_cast %swap3A_405 : i32 to index
    %swap3A_407 = arith.constant 48 : index
    %swap3A_408 = tpu.vector_load %arg6[%swap3A_406, %swap3A_407] {strides = array<i32>} : memref<4x128xi32, #tpu.memory_space<vmem>>, vector<1x16xi32>,
    %swap3A_409 = vector.shape_cast %swap3A_408 : vector<1x16xi32> to vector<16xi32>
    %swap3A_410 = vector.shape_cast %select_n3A_404 : vector<16xi32> to vector<1x16xi32>
    tpu.vector_store %arg6[%swap3A_406, %swap3A_407], %swap3A_410 {strides = array<i32>} : memref<4x128xi32, #tpu.memory_space<vmem>>, vector<1x16xi32>,
    %get3A_411 = arith.constant 192 : index
    %get3A_412 = tpu.vector_load %arg5[%get3A_411] {strides = array<i32>} : memref<512xi32, #tpu.memory_space<vmem>>, vector<16xi32>,
    %get3A_413 = vector.shape_cast %get3A_412 : vector<16xi32> to vector<16xi32>
    %mul3A_414 = arith.constant -1640531535 : i32
    %mul3A_415 = vector.broadcast %mul3A_414 : i32 to vector<16xi32>
    %mul3A_416 = arith.muli %get3A_413, %mul3A_415 : vector<16xi32>
    %jit3A_417 = arith.constant 1000 : i32
    %eq3A_418 = arith.constant 0 : i32
    %eq3A_419 = arith.cmpi eq, %jit3A_417, %eq3A_418 : i32
    %jit3A_420 = arith.constant 1 : i32
    %select_n3A_421 = arith.select %eq3A_419, %jit3A_420, %jit3A_417 : i32
    %rem3A_422 = vector.broadcast %select_n3A_421 : i32 to vector<16xi32>
    %rem3A_423 = arith.remui %mul3A_416, %rem3A_422 : vector<16xi32>
    %ne3A_424 = arith.constant 0 : i32
    %ne3A_425 = vector.broadcast %ne3A_424 : i32 to vector<16xi32>
    %ne3A_426 = arith.cmpi ne, %rem3A_423, %ne3A_425 : vector<16xi32>
    %lt3A_427 = arith.constant 0 : i32
    %lt3A_428 = vector.broadcast %lt3A_427 : i32 to vector<16xi32>
    %lt3A_429 = arith.cmpi ult, %rem3A_423, %lt3A_428 : vector<16xi32>
    %lt3A_430 = arith.constant 0 : i32
    %lt3A_431 = arith.cmpi ult, %select_n3A_421, %lt3A_430 : i32
    %ne3A_432 = vector.broadcast %lt3A_431 : i1 to vector<16xi1>
    %ne3A_433 = vector.broadcast %ne3A_432 : vector<16xi1> to vector<16xi1>
    %ne3A_434 = arith.xori %lt3A_429, %ne3A_433 : vector<16xi1>
    %and3A_435 = arith.andi %ne3A_434, %ne3A_426 : vector<16xi1>
    %add3A_436 = vector.broadcast %select_n3A_421 : i32 to vector<16xi32>
    %add3A_437 = arith.addi %rem3A_423, %add3A_436 : vector<16xi32>
    %select_n3A_438 = arith.select %and3A_435, %add3A_437, %rem3A_423 : vector<16xi1>, vector<16xi32>
    %swap3A_439 = arith.constant 1 : i32
    %swap3A_440 = arith.index_cast %swap3A_439 : i32 to index
    %swap3A_441 = arith.constant 64 : index
    %swap3A_442 = tpu.vector_load %arg6[%swap3A_440, %swap3A_441] {strides = array<i32>} : memref<4x128xi32, #tpu.memory_space<vmem>>, vector<1x16xi32>,
    %swap3A_443 = vector.shape_cast %swap3A_442 : vector<1x16xi32> to vector<16xi32>
    %swap3A_444 = vector.shape_cast %select_n3A_438 : vector<16xi32> to vector<1x16xi32>
    tpu.vector_store %arg6[%swap3A_440, %swap3A_441], %swap3A_444 {strides = array<i32>} : memref<4x128xi32, #tpu.memory_space<vmem>>, vector<1x16xi32>,
    %get3A_445 = arith.constant 208 : index
    %get3A_446 = tpu.vector_load %arg5[%get3A_445] {strides = array<i32>} : memref<512xi32, #tpu.memory_space<vmem>>, vector<16xi32>,
    %get3A_447 = vector.shape_cast %get3A_446 : vector<16xi32> to vector<16xi32>
    %mul3A_448 = arith.constant -1640531535 : i32
    %mul3A_449 = vector.broadcast %mul3A_448 : i32 to vector<16xi32>
    %mul3A_450 = arith.muli %get3A_447, %mul3A_449 : vector<16xi32>
    %jit3A_451 = arith.constant 1000 : i32
    %eq3A_452 = arith.constant 0 : i32
    %eq3A_453 = arith.cmpi eq, %jit3A_451, %eq3A_452 : i32
    %jit3A_454 = arith.constant 1 : i32
    %select_n3A_455 = arith.select %eq3A_453, %jit3A_454, %jit3A_451 : i32
    %rem3A_456 = vector.broadcast %select_n3A_455 : i32 to vector<16xi32>
    %rem3A_457 = arith.remui %mul3A_450, %rem3A_456 : vector<16xi32>
    %ne3A_458 = arith.constant 0 : i32
    %ne3A_459 = vector.broadcast %ne3A_458 : i32 to vector<16xi32>
    %ne3A_460 = arith.cmpi ne, %rem3A_457, %ne3A_459 : vector<16xi32>
    %lt3A_461 = arith.constant 0 : i32
    %lt3A_462 = vector.broadcast %lt3A_461 : i32 to vector<16xi32>
    %lt3A_463 = arith.cmpi ult, %rem3A_457, %lt3A_462 : vector<16xi32>
    %lt3A_464 = arith.constant 0 : i32
    %lt3A_465 = arith.cmpi ult, %select_n3A_455, %lt3A_464 : i32
    %ne3A_466 = vector.broadcast %lt3A_465 : i1 to vector<16xi1>
    %ne3A_467 = vector.broadcast %ne3A_466 : vector<16xi1> to vector<16xi1>
    %ne3A_468 = arith.xori %lt3A_463, %ne3A_467 : vector<16xi1>
    %and3A_469 = arith.andi %ne3A_468, %ne3A_460 : vector<16xi1>
    %add3A_470 = vector.broadcast %select_n3A_455 : i32 to vector<16xi32>
    %add3A_471 = arith.addi %rem3A_457, %add3A_470 : vector<16xi32>
    %select_n3A_472 = arith.select %and3A_469, %add3A_471, %rem3A_457 : vector<16xi1>, vector<16xi32>
    %swap3A_473 = arith.constant 1 : i32
    %swap3A_474 = arith.index_cast %swap3A_473 : i32 to index
    %swap3A_475 = arith.constant 80 : index
    %swap3A_476 = tpu.vector_load %arg6[%swap3A_474, %swap3A_475] {strides = array<i32>} : memref<4x128xi32, #tpu.memory_space<vmem>>, vector<1x16xi32>,
    %swap3A_477 = vector.shape_cast %swap3A_476 : vector<1x16xi32> to vector<16xi32>
    %swap3A_478 = vector.shape_cast %select_n3A_472 : vector<16xi32> to vector<1x16xi32>
    tpu.vector_store %arg6[%swap3A_474, %swap3A_475], %swap3A_478 {strides = array<i32>} : memref<4x128xi32, #tpu.memory_space<vmem>>, vector<1x16xi32>,
    %get3A_479 = arith.constant 224 : index
    %get3A_480 = tpu.vector_load %arg5[%get3A_479] {strides = array<i32>} : memref<512xi32, #tpu.memory_space<vmem>>, vector<16xi32>,
    %get3A_481 = vector.shape_cast %get3A_480 : vector<16xi32> to vector<16xi32>
    %mul3A_482 = arith.constant -1640531535 : i32
    %mul3A_483 = vector.broadcast %mul3A_482 : i32 to vector<16xi32>
    %mul3A_484 = arith.muli %get3A_481, %mul3A_483 : vector<16xi32>
    %jit3A_485 = arith.constant 1000 : i32
    %eq3A_486 = arith.constant 0 : i32
    %eq3A_487 = arith.cmpi eq, %jit3A_485, %eq3A_486 : i32
    %jit3A_488 = arith.constant 1 : i32
    %select_n3A_489 = arith.select %eq3A_487, %jit3A_488, %jit3A_485 : i32
    %rem3A_490 = vector.broadcast %select_n3A_489 : i32 to vector<16xi32>
    %rem3A_491 = arith.remui %mul3A_484, %rem3A_490 : vector<16xi32>
    %ne3A_492 = arith.constant 0 : i32
    %ne3A_493 = vector.broadcast %ne3A_492 : i32 to vector<16xi32>
    %ne3A_494 = arith.cmpi ne, %rem3A_491, %ne3A_493 : vector<16xi32>
    %lt3A_495 = arith.constant 0 : i32
    %lt3A_496 = vector.broadcast %lt3A_495 : i32 to vector<16xi32>
    %lt3A_497 = arith.cmpi ult, %rem3A_491, %lt3A_496 : vector<16xi32>
    %lt3A_498 = arith.constant 0 : i32
    %lt3A_499 = arith.cmpi ult, %select_n3A_489, %lt3A_498 : i32
    %ne3A_500 = vector.broadcast %lt3A_499 : i1 to vector<16xi1>
    %ne3A_501 = vector.broadcast %ne3A_500 : vector<16xi1> to vector<16xi1>
    %ne3A_502 = arith.xori %lt3A_497, %ne3A_501 : vector<16xi1>
    %and3A_503 = arith.andi %ne3A_502, %ne3A_494 : vector<16xi1>
    %add3A_504 = vector.broadcast %select_n3A_489 : i32 to vector<16xi32>
    %add3A_505 = arith.addi %rem3A_491, %add3A_504 : vector<16xi32>
    %select_n3A_506 = arith.select %and3A_503, %add3A_505, %rem3A_491 : vector<16xi1>, vector<16xi32>
    %swap3A_507 = arith.constant 1 : i32
    %swap3A_508 = arith.index_cast %swap3A_507 : i32 to index
    %swap3A_509 = arith.constant 96 : index
    %swap3A_510 = tpu.vector_load %arg6[%swap3A_508, %swap3A_509] {strides = array<i32>} : memref<4x128xi32, #tpu.memory_space<vmem>>, vector<1x16xi32>,
    %swap3A_511 = vector.shape_cast %swap3A_510 : vector<1x16xi32> to vector<16xi32>
    %swap3A_512 = vector.shape_cast %select_n3A_506 : vector<16xi32> to vector<1x16xi32>
    tpu.vector_store %arg6[%swap3A_508, %swap3A_509], %swap3A_512 {strides = array<i32>} : memref<4x128xi32, #tpu.memory_space<vmem>>, vector<1x16xi32>,
    %get3A_513 = arith.constant 240 : index
    %get3A_514 = tpu.vector_load %arg5[%get3A_513] {strides = array<i32>} : memref<512xi32, #tpu.memory_space<vmem>>, vector<16xi32>,
    %get3A_515 = vector.shape_cast %get3A_514 : vector<16xi32> to vector<16xi32>
    %mul3A_516 = arith.constant -1640531535 : i32
    %mul3A_517 = vector.broadcast %mul3A_516 : i32 to vector<16xi32>
    %mul3A_518 = arith.muli %get3A_515, %mul3A_517 : vector<16xi32>
    %jit3A_519 = arith.constant 1000 : i32
    %eq3A_520 = arith.constant 0 : i32
    %eq3A_521 = arith.cmpi eq, %jit3A_519, %eq3A_520 : i32
    %jit3A_522 = arith.constant 1 : i32
    %select_n3A_523 = arith.select %eq3A_521, %jit3A_522, %jit3A_519 : i32
    %rem3A_524 = vector.broadcast %select_n3A_523 : i32 to vector<16xi32>
    %rem3A_525 = arith.remui %mul3A_518, %rem3A_524 : vector<16xi32>
    %ne3A_526 = arith.constant 0 : i32
    %ne3A_527 = vector.broadcast %ne3A_526 : i32 to vector<16xi32>
    %ne3A_528 = arith.cmpi ne, %rem3A_525, %ne3A_527 : vector<16xi32>
    %lt3A_529 = arith.constant 0 : i32
    %lt3A_530 = vector.broadcast %lt3A_529 : i32 to vector<16xi32>
    %lt3A_531 = arith.cmpi ult, %rem3A_525, %lt3A_530 : vector<16xi32>
    %lt3A_532 = arith.constant 0 : i32
    %lt3A_533 = arith.cmpi ult, %select_n3A_523, %lt3A_532 : i32
    %ne3A_534 = vector.broadcast %lt3A_533 : i1 to vector<16xi1>
    %ne3A_535 = vector.broadcast %ne3A_534 : vector<16xi1> to vector<16xi1>
    %ne3A_536 = arith.xori %lt3A_531, %ne3A_535 : vector<16xi1>
    %and3A_537 = arith.andi %ne3A_536, %ne3A_528 : vector<16xi1>
    %add3A_538 = vector.broadcast %select_n3A_523 : i32 to vector<16xi32>
    %add3A_539 = arith.addi %rem3A_525, %add3A_538 : vector<16xi32>
    %select_n3A_540 = arith.select %and3A_537, %add3A_539, %rem3A_525 : vector<16xi1>, vector<16xi32>
    %swap3A_541 = arith.constant 1 : i32
    %swap3A_542 = arith.index_cast %swap3A_541 : i32 to index
    %swap3A_543 = arith.constant 112 : index
    %swap3A_544 = tpu.vector_load %arg6[%swap3A_542, %swap3A_543] {strides = array<i32>} : memref<4x128xi32, #tpu.memory_space<vmem>>, vector<1x16xi32>,
    %swap3A_545 = vector.shape_cast %swap3A_544 : vector<1x16xi32> to vector<16xi32>
    %swap3A_546 = vector.shape_cast %select_n3A_540 : vector<16xi32> to vector<1x16xi32>
    tpu.vector_store %arg6[%swap3A_542, %swap3A_543], %swap3A_546 {strides = array<i32>} : memref<4x128xi32, #tpu.memory_space<vmem>>, vector<1x16xi32>,
    %dma_start3A_547 = arith.constant 1 : i32
    %dma_start3A_548 = arith.constant 128 : i32
    %dma_start3A_549 = arith.constant 0 : i32
    %dma_start3A_550 = tpu.memref_slice %arg7[%dma_start3A_548, %dma_start3A_549] : memref<512x128xf32, #tpu.memory_space<vmem>> -> memref<128x128xf32, #tpu.memory_space<vmem>>
    %dma_start3A_551 = arith.constant 0 : i32
    %dma_start3A_552 = tpu.memref_slice %arg6[%dma_start3A_547, %dma_start3A_551] : memref<4x128xi32, #tpu.memory_space<vmem>> -> memref<1x128xi32, #tpu.memory_space<vmem>>
    %dma_start3A_553 = tpu.memref_squeeze %dma_start3A_552 : memref<1x128xi32, #tpu.memory_space<vmem>> -> memref<128xi32, #tpu.memory_space<vmem>>
    %dma_start3A_554 = arith.constant 0 : i32
    %dma_start3A_555 = arith.constant 0 : i32
    %dma_start3A_556 = tpu.memref_slice %arg3[%dma_start3A_554, %dma_start3A_555] : memref<1000x128xf32, #tpu.memory_space<hbm>> -> memref<1000x128xf32, #tpu.memory_space<hbm>>
    tpu.enqueue_indirect_dma source(%dma_start3A_556 : memref<1000x128xf32, #tpu.memory_space<hbm>>) target(%dma_start3A_550 : memref<128x128xf32, #tpu.memory_space<vmem>>) offsets(%dma_start3A_553 : memref<128xi32, #tpu.memory_space<vmem>>) semaphore(%arg8 : memref<!tpu.dma_semaphore, #tpu.memory_space<semaphore_mem>>)
    %get3A_557 = arith.constant 256 : index
    %get3A_558 = tpu.vector_load %arg5[%get3A_557] {strides = array<i32>} : memref<512xi32, #tpu.memory_space<vmem>>, vector<16xi32>,
    %get3A_559 = vector.shape_cast %get3A_558 : vector<16xi32> to vector<16xi32>
    %mul3A_560 = arith.constant -1640531535 : i32
    %mul3A_561 = vector.broadcast %mul3A_560 : i32 to vector<16xi32>
    %mul3A_562 = arith.muli %get3A_559, %mul3A_561 : vector<16xi32>
    %jit3A_563 = arith.constant 1000 : i32
    %eq3A_564 = arith.constant 0 : i32
    %eq3A_565 = arith.cmpi eq, %jit3A_563, %eq3A_564 : i32
    %jit3A_566 = arith.constant 1 : i32
    %select_n3A_567 = arith.select %eq3A_565, %jit3A_566, %jit3A_563 : i32
    %rem3A_568 = vector.broadcast %select_n3A_567 : i32 to vector<16xi32>
    %rem3A_569 = arith.remui %mul3A_562, %rem3A_568 : vector<16xi32>
    %ne3A_570 = arith.constant 0 : i32
    %ne3A_571 = vector.broadcast %ne3A_570 : i32 to vector<16xi32>
    %ne3A_572 = arith.cmpi ne, %rem3A_569, %ne3A_571 : vector<16xi32>
    %lt3A_573 = arith.constant 0 : i32
    %lt3A_574 = vector.broadcast %lt3A_573 : i32 to vector<16xi32>
    %lt3A_575 = arith.cmpi ult, %rem3A_569, %lt3A_574 : vector<16xi32>
    %lt3A_576 = arith.constant 0 : i32
    %lt3A_577 = arith.cmpi ult, %select_n3A_567, %lt3A_576 : i32
    %ne3A_578 = vector.broadcast %lt3A_577 : i1 to vector<16xi1>
    %ne3A_579 = vector.broadcast %ne3A_578 : vector<16xi1> to vector<16xi1>
    %ne3A_580 = arith.xori %lt3A_575, %ne3A_579 : vector<16xi1>
    %and3A_581 = arith.andi %ne3A_580, %ne3A_572 : vector<16xi1>
    %add3A_582 = vector.broadcast %select_n3A_567 : i32 to vector<16xi32>
    %add3A_583 = arith.addi %rem3A_569, %add3A_582 : vector<16xi32>
    %select_n3A_584 = arith.select %and3A_581, %add3A_583, %rem3A_569 : vector<16xi1>, vector<16xi32>
    %swap3A_585 = arith.constant 2 : i32
    %swap3A_586 = arith.index_cast %swap3A_585 : i32 to index
    %swap3A_587 = arith.constant 0 : index
    %swap3A_588 = tpu.vector_load %arg6[%swap3A_586, %swap3A_587] {strides = array<i32>} : memref<4x128xi32, #tpu.memory_space<vmem>>, vector<1x16xi32>,
    %swap3A_589 = vector.shape_cast %swap3A_588 : vector<1x16xi32> to vector<16xi32>
    %swap3A_590 = vector.shape_cast %select_n3A_584 : vector<16xi32> to vector<1x16xi32>
    tpu.vector_store %arg6[%swap3A_586, %swap3A_587], %swap3A_590 {strides = array<i32>} : memref<4x128xi32, #tpu.memory_space<vmem>>, vector<1x16xi32>,
    %get3A_591 = arith.constant 272 : index
    %get3A_592 = tpu.vector_load %arg5[%get3A_591] {strides = array<i32>} : memref<512xi32, #tpu.memory_space<vmem>>, vector<16xi32>,
    %get3A_593 = vector.shape_cast %get3A_592 : vector<16xi32> to vector<16xi32>
    %mul3A_594 = arith.constant -1640531535 : i32
    %mul3A_595 = vector.broadcast %mul3A_594 : i32 to vector<16xi32>
    %mul3A_596 = arith.muli %get3A_593, %mul3A_595 : vector<16xi32>
    %jit3A_597 = arith.constant 1000 : i32
    %eq3A_598 = arith.constant 0 : i32
    %eq3A_599 = arith.cmpi eq, %jit3A_597, %eq3A_598 : i32
    %jit3A_600 = arith.constant 1 : i32
    %select_n3A_601 = arith.select %eq3A_599, %jit3A_600, %jit3A_597 : i32
    %rem3A_602 = vector.broadcast %select_n3A_601 : i32 to vector<16xi32>
    %rem3A_603 = arith.remui %mul3A_596, %rem3A_602 : vector<16xi32>
    %ne3A_604 = arith.constant 0 : i32
    %ne3A_605 = vector.broadcast %ne3A_604 : i32 to vector<16xi32>
    %ne3A_606 = arith.cmpi ne, %rem3A_603, %ne3A_605 : vector<16xi32>
    %lt3A_607 = arith.constant 0 : i32
    %lt3A_608 = vector.broadcast %lt3A_607 : i32 to vector<16xi32>
    %lt3A_609 = arith.cmpi ult, %rem3A_603, %lt3A_608 : vector<16xi32>
    %lt3A_610 = arith.constant 0 : i32
    %lt3A_611 = arith.cmpi ult, %select_n3A_601, %lt3A_610 : i32
    %ne3A_612 = vector.broadcast %lt3A_611 : i1 to vector<16xi1>
    %ne3A_613 = vector.broadcast %ne3A_612 : vector<16xi1> to vector<16xi1>
    %ne3A_614 = arith.xori %lt3A_609, %ne3A_613 : vector<16xi1>
    %and3A_615 = arith.andi %ne3A_614, %ne3A_606 : vector<16xi1>
    %add3A_616 = vector.broadcast %select_n3A_601 : i32 to vector<16xi32>
    %add3A_617 = arith.addi %rem3A_603, %add3A_616 : vector<16xi32>
    %select_n3A_618 = arith.select %and3A_615, %add3A_617, %rem3A_603 : vector<16xi1>, vector<16xi32>
    %swap3A_619 = arith.constant 2 : i32
    %swap3A_620 = arith.index_cast %swap3A_619 : i32 to index
    %swap3A_621 = arith.constant 16 : index
    %swap3A_622 = tpu.vector_load %arg6[%swap3A_620, %swap3A_621] {strides = array<i32>} : memref<4x128xi32, #tpu.memory_space<vmem>>, vector<1x16xi32>,
    %swap3A_623 = vector.shape_cast %swap3A_622 : vector<1x16xi32> to vector<16xi32>
    %swap3A_624 = vector.shape_cast %select_n3A_618 : vector<16xi32> to vector<1x16xi32>
    tpu.vector_store %arg6[%swap3A_620, %swap3A_621], %swap3A_624 {strides = array<i32>} : memref<4x128xi32, #tpu.memory_space<vmem>>, vector<1x16xi32>,
    %get3A_625 = arith.constant 288 : index
    %get3A_626 = tpu.vector_load %arg5[%get3A_625] {strides = array<i32>} : memref<512xi32, #tpu.memory_space<vmem>>, vector<16xi32>,
    %get3A_627 = vector.shape_cast %get3A_626 : vector<16xi32> to vector<16xi32>
    %mul3A_628 = arith.constant -1640531535 : i32
    %mul3A_629 = vector.broadcast %mul3A_628 : i32 to vector<16xi32>
    %mul3A_630 = arith.muli %get3A_627, %mul3A_629 : vector<16xi32>
    %jit3A_631 = arith.constant 1000 : i32
    %eq3A_632 = arith.constant 0 : i32
    %eq3A_633 = arith.cmpi eq, %jit3A_631, %eq3A_632 : i32
    %jit3A_634 = arith.constant 1 : i32
    %select_n3A_635 = arith.select %eq3A_633, %jit3A_634, %jit3A_631 : i32
    %rem3A_636 = vector.broadcast %select_n3A_635 : i32 to vector<16xi32>
    %rem3A_637 = arith.remui %mul3A_630, %rem3A_636 : vector<16xi32>
    %ne3A_638 = arith.constant 0 : i32
    %ne3A_639 = vector.broadcast %ne3A_638 : i32 to vector<16xi32>
    %ne3A_640 = arith.cmpi ne, %rem3A_637, %ne3A_639 : vector<16xi32>
    %lt3A_641 = arith.constant 0 : i32
    %lt3A_642 = vector.broadcast %lt3A_641 : i32 to vector<16xi32>
    %lt3A_643 = arith.cmpi ult, %rem3A_637, %lt3A_642 : vector<16xi32>
    %lt3A_644 = arith.constant 0 : i32
    %lt3A_645 = arith.cmpi ult, %select_n3A_635, %lt3A_644 : i32
    %ne3A_646 = vector.broadcast %lt3A_645 : i1 to vector<16xi1>
    %ne3A_647 = vector.broadcast %ne3A_646 : vector<16xi1> to vector<16xi1>
    %ne3A_648 = arith.xori %lt3A_643, %ne3A_647 : vector<16xi1>
    %and3A_649 = arith.andi %ne3A_648, %ne3A_640 : vector<16xi1>
    %add3A_650 = vector.broadcast %select_n3A_635 : i32 to vector<16xi32>
    %add3A_651 = arith.addi %rem3A_637, %add3A_650 : vector<16xi32>
    %select_n3A_652 = arith.select %and3A_649, %add3A_651, %rem3A_637 : vector<16xi1>, vector<16xi32>
    %swap3A_653 = arith.constant 2 : i32
    %swap3A_654 = arith.index_cast %swap3A_653 : i32 to index
    %swap3A_655 = arith.constant 32 : index
    %swap3A_656 = tpu.vector_load %arg6[%swap3A_654, %swap3A_655] {strides = array<i32>} : memref<4x128xi32, #tpu.memory_space<vmem>>, vector<1x16xi32>,
    %swap3A_657 = vector.shape_cast %swap3A_656 : vector<1x16xi32> to vector<16xi32>
    %swap3A_658 = vector.shape_cast %select_n3A_652 : vector<16xi32> to vector<1x16xi32>
    tpu.vector_store %arg6[%swap3A_654, %swap3A_655], %swap3A_658 {strides = array<i32>} : memref<4x128xi32, #tpu.memory_space<vmem>>, vector<1x16xi32>,
    %get3A_659 = arith.constant 304 : index
    %get3A_660 = tpu.vector_load %arg5[%get3A_659] {strides = array<i32>} : memref<512xi32, #tpu.memory_space<vmem>>, vector<16xi32>,
    %get3A_661 = vector.shape_cast %get3A_660 : vector<16xi32> to vector<16xi32>
    %mul3A_662 = arith.constant -1640531535 : i32
    %mul3A_663 = vector.broadcast %mul3A_662 : i32 to vector<16xi32>
    %mul3A_664 = arith.muli %get3A_661, %mul3A_663 : vector<16xi32>
    %jit3A_665 = arith.constant 1000 : i32
    %eq3A_666 = arith.constant 0 : i32
    %eq3A_667 = arith.cmpi eq, %jit3A_665, %eq3A_666 : i32
    %jit3A_668 = arith.constant 1 : i32
    %select_n3A_669 = arith.select %eq3A_667, %jit3A_668, %jit3A_665 : i32
    %rem3A_670 = vector.broadcast %select_n3A_669 : i32 to vector<16xi32>
    %rem3A_671 = arith.remui %mul3A_664, %rem3A_670 : vector<16xi32>
    %ne3A_672 = arith.constant 0 : i32
    %ne3A_673 = vector.broadcast %ne3A_672 : i32 to vector<16xi32>
    %ne3A_674 = arith.cmpi ne, %rem3A_671, %ne3A_673 : vector<16xi32>
    %lt3A_675 = arith.constant 0 : i32
    %lt3A_676 = vector.broadcast %lt3A_675 : i32 to vector<16xi32>
    %lt3A_677 = arith.cmpi ult, %rem3A_671, %lt3A_676 : vector<16xi32>
    %lt3A_678 = arith.constant 0 : i32
    %lt3A_679 = arith.cmpi ult, %select_n3A_669, %lt3A_678 : i32
    %ne3A_680 = vector.broadcast %lt3A_679 : i1 to vector<16xi1>
    %ne3A_681 = vector.broadcast %ne3A_680 : vector<16xi1> to vector<16xi1>
    %ne3A_682 = arith.xori %lt3A_677, %ne3A_681 : vector<16xi1>
    %and3A_683 = arith.andi %ne3A_682, %ne3A_674 : vector<16xi1>
    %add3A_684 = vector.broadcast %select_n3A_669 : i32 to vector<16xi32>
    %add3A_685 = arith.addi %rem3A_671, %add3A_684 : vector<16xi32>
    %select_n3A_686 = arith.select %and3A_683, %add3A_685, %rem3A_671 : vector<16xi1>, vector<16xi32>
    %swap3A_687 = arith.constant 2 : i32
    %swap3A_688 = arith.index_cast %swap3A_687 : i32 to index
    %swap3A_689 = arith.constant 48 : index
    %swap3A_690 = tpu.vector_load %arg6[%swap3A_688, %swap3A_689] {strides = array<i32>} : memref<4x128xi32, #tpu.memory_space<vmem>>, vector<1x16xi32>,
    %swap3A_691 = vector.shape_cast %swap3A_690 : vector<1x16xi32> to vector<16xi32>
    %swap3A_692 = vector.shape_cast %select_n3A_686 : vector<16xi32> to vector<1x16xi32>
    tpu.vector_store %arg6[%swap3A_688, %swap3A_689], %swap3A_692 {strides = array<i32>} : memref<4x128xi32, #tpu.memory_space<vmem>>, vector<1x16xi32>,
    %get3A_693 = arith.constant 320 : index
    %get3A_694 = tpu.vector_load %arg5[%get3A_693] {strides = array<i32>} : memref<512xi32, #tpu.memory_space<vmem>>, vector<16xi32>,
    %get3A_695 = vector.shape_cast %get3A_694 : vector<16xi32> to vector<16xi32>
    %mul3A_696 = arith.constant -1640531535 : i32
    %mul3A_697 = vector.broadcast %mul3A_696 : i32 to vector<16xi32>
    %mul3A_698 = arith.muli %get3A_695, %mul3A_697 : vector<16xi32>
    %jit3A_699 = arith.constant 1000 : i32
    %eq3A_700 = arith.constant 0 : i32
    %eq3A_701 = arith.cmpi eq, %jit3A_699, %eq3A_700 : i32
    %jit3A_702 = arith.constant 1 : i32
    %select_n3A_703 = arith.select %eq3A_701, %jit3A_702, %jit3A_699 : i32
    %rem3A_704 = vector.broadcast %select_n3A_703 : i32 to vector<16xi32>
    %rem3A_705 = arith.remui %mul3A_698, %rem3A_704 : vector<16xi32>
    %ne3A_706 = arith.constant 0 : i32
    %ne3A_707 = vector.broadcast %ne3A_706 : i32 to vector<16xi32>
    %ne3A_708 = arith.cmpi ne, %rem3A_705, %ne3A_707 : vector<16xi32>
    %lt3A_709 = arith.constant 0 : i32
    %lt3A_710 = vector.broadcast %lt3A_709 : i32 to vector<16xi32>
    %lt3A_711 = arith.cmpi ult, %rem3A_705, %lt3A_710 : vector<16xi32>
    %lt3A_712 = arith.constant 0 : i32
    %lt3A_713 = arith.cmpi ult, %select_n3A_703, %lt3A_712 : i32
    %ne3A_714 = vector.broadcast %lt3A_713 : i1 to vector<16xi1>
    %ne3A_715 = vector.broadcast %ne3A_714 : vector<16xi1> to vector<16xi1>
    %ne3A_716 = arith.xori %lt3A_711, %ne3A_715 : vector<16xi1>
    %and3A_717 = arith.andi %ne3A_716, %ne3A_708 : vector<16xi1>
    %add3A_718 = vector.broadcast %select_n3A_703 : i32 to vector<16xi32>
    %add3A_719 = arith.addi %rem3A_705, %add3A_718 : vector<16xi32>
    %select_n3A_720 = arith.select %and3A_717, %add3A_719, %rem3A_705 : vector<16xi1>, vector<16xi32>
    %swap3A_721 = arith.constant 2 : i32
    %swap3A_722 = arith.index_cast %swap3A_721 : i32 to index
    %swap3A_723 = arith.constant 64 : index
    %swap3A_724 = tpu.vector_load %arg6[%swap3A_722, %swap3A_723] {strides = array<i32>} : memref<4x128xi32, #tpu.memory_space<vmem>>, vector<1x16xi32>,
    %swap3A_725 = vector.shape_cast %swap3A_724 : vector<1x16xi32> to vector<16xi32>
    %swap3A_726 = vector.shape_cast %select_n3A_720 : vector<16xi32> to vector<1x16xi32>
    tpu.vector_store %arg6[%swap3A_722, %swap3A_723], %swap3A_726 {strides = array<i32>} : memref<4x128xi32, #tpu.memory_space<vmem>>, vector<1x16xi32>,
    %get3A_727 = arith.constant 336 : index
    %get3A_728 = tpu.vector_load %arg5[%get3A_727] {strides = array<i32>} : memref<512xi32, #tpu.memory_space<vmem>>, vector<16xi32>,
    %get3A_729 = vector.shape_cast %get3A_728 : vector<16xi32> to vector<16xi32>
    %mul3A_730 = arith.constant -1640531535 : i32
    %mul3A_731 = vector.broadcast %mul3A_730 : i32 to vector<16xi32>
    %mul3A_732 = arith.muli %get3A_729, %mul3A_731 : vector<16xi32>
    %jit3A_733 = arith.constant 1000 : i32
    %eq3A_734 = arith.constant 0 : i32
    %eq3A_735 = arith.cmpi eq, %jit3A_733, %eq3A_734 : i32
    %jit3A_736 = arith.constant 1 : i32
    %select_n3A_737 = arith.select %eq3A_735, %jit3A_736, %jit3A_733 : i32
    %rem3A_738 = vector.broadcast %select_n3A_737 : i32 to vector<16xi32>
    %rem3A_739 = arith.remui %mul3A_732, %rem3A_738 : vector<16xi32>
    %ne3A_740 = arith.constant 0 : i32
    %ne3A_741 = vector.broadcast %ne3A_740 : i32 to vector<16xi32>
    %ne3A_742 = arith.cmpi ne, %rem3A_739, %ne3A_741 : vector<16xi32>
    %lt3A_743 = arith.constant 0 : i32
    %lt3A_744 = vector.broadcast %lt3A_743 : i32 to vector<16xi32>
    %lt3A_745 = arith.cmpi ult, %rem3A_739, %lt3A_744 : vector<16xi32>
    %lt3A_746 = arith.constant 0 : i32
    %lt3A_747 = arith.cmpi ult, %select_n3A_737, %lt3A_746 : i32
    %ne3A_748 = vector.broadcast %lt3A_747 : i1 to vector<16xi1>
    %ne3A_749 = vector.broadcast %ne3A_748 : vector<16xi1> to vector<16xi1>
    %ne3A_750 = arith.xori %lt3A_745, %ne3A_749 : vector<16xi1>
    %and3A_751 = arith.andi %ne3A_750, %ne3A_742 : vector<16xi1>
    %add3A_752 = vector.broadcast %select_n3A_737 : i32 to vector<16xi32>
    %add3A_753 = arith.addi %rem3A_739, %add3A_752 : vector<16xi32>
    %select_n3A_754 = arith.select %and3A_751, %add3A_753, %rem3A_739 : vector<16xi1>, vector<16xi32>
    %swap3A_755 = arith.constant 2 : i32
    %swap3A_756 = arith.index_cast %swap3A_755 : i32 to index
    %swap3A_757 = arith.constant 80 : index
    %swap3A_758 = tpu.vector_load %arg6[%swap3A_756, %swap3A_757] {strides = array<i32>} : memref<4x128xi32, #tpu.memory_space<vmem>>, vector<1x16xi32>,
    %swap3A_759 = vector.shape_cast %swap3A_758 : vector<1x16xi32> to vector<16xi32>
    %swap3A_760 = vector.shape_cast %select_n3A_754 : vector<16xi32> to vector<1x16xi32>
    tpu.vector_store %arg6[%swap3A_756, %swap3A_757], %swap3A_760 {strides = array<i32>} : memref<4x128xi32, #tpu.memory_space<vmem>>, vector<1x16xi32>,
    %get3A_761 = arith.constant 352 : index
    %get3A_762 = tpu.vector_load %arg5[%get3A_761] {strides = array<i32>} : memref<512xi32, #tpu.memory_space<vmem>>, vector<16xi32>,
    %get3A_763 = vector.shape_cast %get3A_762 : vector<16xi32> to vector<16xi32>
    %mul3A_764 = arith.constant -1640531535 : i32
    %mul3A_765 = vector.broadcast %mul3A_764 : i32 to vector<16xi32>
    %mul3A_766 = arith.muli %get3A_763, %mul3A_765 : vector<16xi32>
    %jit3A_767 = arith.constant 1000 : i32
    %eq3A_768 = arith.constant 0 : i32
    %eq3A_769 = arith.cmpi eq, %jit3A_767, %eq3A_768 : i32
    %jit3A_770 = arith.constant 1 : i32
    %select_n3A_771 = arith.select %eq3A_769, %jit3A_770, %jit3A_767 : i32
    %rem3A_772 = vector.broadcast %select_n3A_771 : i32 to vector<16xi32>
    %rem3A_773 = arith.remui %mul3A_766, %rem3A_772 : vector<16xi32>
    %ne3A_774 = arith.constant 0 : i32
    %ne3A_775 = vector.broadcast %ne3A_774 : i32 to vector<16xi32>
    %ne3A_776 = arith.cmpi ne, %rem3A_773, %ne3A_775 : vector<16xi32>
    %lt3A_777 = arith.constant 0 : i32
    %lt3A_778 = vector.broadcast %lt3A_777 : i32 to vector<16xi32>
    %lt3A_779 = arith.cmpi ult, %rem3A_773, %lt3A_778 : vector<16xi32>
    %lt3A_780 = arith.constant 0 : i32
    %lt3A_781 = arith.cmpi ult, %select_n3A_771, %lt3A_780 : i32
    %ne3A_782 = vector.broadcast %lt3A_781 : i1 to vector<16xi1>
    %ne3A_783 = vector.broadcast %ne3A_782 : vector<16xi1> to vector<16xi1>
    %ne3A_784 = arith.xori %lt3A_779, %ne3A_783 : vector<16xi1>
    %and3A_785 = arith.andi %ne3A_784, %ne3A_776 : vector<16xi1>
    %add3A_786 = vector.broadcast %select_n3A_771 : i32 to vector<16xi32>
    %add3A_787 = arith.addi %rem3A_773, %add3A_786 : vector<16xi32>
    %select_n3A_788 = arith.select %and3A_785, %add3A_787, %rem3A_773 : vector<16xi1>, vector<16xi32>
    %swap3A_789 = arith.constant 2 : i32
    %swap3A_790 = arith.index_cast %swap3A_789 : i32 to index
    %swap3A_791 = arith.constant 96 : index
    %swap3A_792 = tpu.vector_load %arg6[%swap3A_790, %swap3A_791] {strides = array<i32>} : memref<4x128xi32, #tpu.memory_space<vmem>>, vector<1x16xi32>,
    %swap3A_793 = vector.shape_cast %swap3A_792 : vector<1x16xi32> to vector<16xi32>
    %swap3A_794 = vector.shape_cast %select_n3A_788 : vector<16xi32> to vector<1x16xi32>
    tpu.vector_store %arg6[%swap3A_790, %swap3A_791], %swap3A_794 {strides = array<i32>} : memref<4x128xi32, #tpu.memory_space<vmem>>, vector<1x16xi32>,
    %get3A_795 = arith.constant 368 : index
    %get3A_796 = tpu.vector_load %arg5[%get3A_795] {strides = array<i32>} : memref<512xi32, #tpu.memory_space<vmem>>, vector<16xi32>,
    %get3A_797 = vector.shape_cast %get3A_796 : vector<16xi32> to vector<16xi32>
    %mul3A_798 = arith.constant -1640531535 : i32
    %mul3A_799 = vector.broadcast %mul3A_798 : i32 to vector<16xi32>
    %mul3A_800 = arith.muli %get3A_797, %mul3A_799 : vector<16xi32>
    %jit3A_801 = arith.constant 1000 : i32
    %eq3A_802 = arith.constant 0 : i32
    %eq3A_803 = arith.cmpi eq, %jit3A_801, %eq3A_802 : i32
    %jit3A_804 = arith.constant 1 : i32
    %select_n3A_805 = arith.select %eq3A_803, %jit3A_804, %jit3A_801 : i32
    %rem3A_806 = vector.broadcast %select_n3A_805 : i32 to vector<16xi32>
    %rem3A_807 = arith.remui %mul3A_800, %rem3A_806 : vector<16xi32>
    %ne3A_808 = arith.constant 0 : i32
    %ne3A_809 = vector.broadcast %ne3A_808 : i32 to vector<16xi32>
    %ne3A_810 = arith.cmpi ne, %rem3A_807, %ne3A_809 : vector<16xi32>
    %lt3A_811 = arith.constant 0 : i32
    %lt3A_812 = vector.broadcast %lt3A_811 : i32 to vector<16xi32>
    %lt3A_813 = arith.cmpi ult, %rem3A_807, %lt3A_812 : vector<16xi32>
    %lt3A_814 = arith.constant 0 : i32
    %lt3A_815 = arith.cmpi ult, %select_n3A_805, %lt3A_814 : i32
    %ne3A_816 = vector.broadcast %lt3A_815 : i1 to vector<16xi1>
    %ne3A_817 = vector.broadcast %ne3A_816 : vector<16xi1> to vector<16xi1>
    %ne3A_818 = arith.xori %lt3A_813, %ne3A_817 : vector<16xi1>
    %and3A_819 = arith.andi %ne3A_818, %ne3A_810 : vector<16xi1>
    %add3A_820 = vector.broadcast %select_n3A_805 : i32 to vector<16xi32>
    %add3A_821 = arith.addi %rem3A_807, %add3A_820 : vector<16xi32>
    %select_n3A_822 = arith.select %and3A_819, %add3A_821, %rem3A_807 : vector<16xi1>, vector<16xi32>
    %swap3A_823 = arith.constant 2 : i32
    %swap3A_824 = arith.index_cast %swap3A_823 : i32 to index
    %swap3A_825 = arith.constant 112 : index
    %swap3A_826 = tpu.vector_load %arg6[%swap3A_824, %swap3A_825] {strides = array<i32>} : memref<4x128xi32, #tpu.memory_space<vmem>>, vector<1x16xi32>,
    %swap3A_827 = vector.shape_cast %swap3A_826 : vector<1x16xi32> to vector<16xi32>
    %swap3A_828 = vector.shape_cast %select_n3A_822 : vector<16xi32> to vector<1x16xi32>
    tpu.vector_store %arg6[%swap3A_824, %swap3A_825], %swap3A_828 {strides = array<i32>} : memref<4x128xi32, #tpu.memory_space<vmem>>, vector<1x16xi32>,
    %dma_start3A_829 = arith.constant 2 : i32
    %dma_start3A_830 = arith.constant 256 : i32
    %dma_start3A_831 = arith.constant 0 : i32
    %dma_start3A_832 = tpu.memref_slice %arg7[%dma_start3A_830, %dma_start3A_831] : memref<512x128xf32, #tpu.memory_space<vmem>> -> memref<128x128xf32, #tpu.memory_space<vmem>>
    %dma_start3A_833 = arith.constant 0 : i32
    %dma_start3A_834 = tpu.memref_slice %arg6[%dma_start3A_829, %dma_start3A_833] : memref<4x128xi32, #tpu.memory_space<vmem>> -> memref<1x128xi32, #tpu.memory_space<vmem>>
    %dma_start3A_835 = tpu.memref_squeeze %dma_start3A_834 : memref<1x128xi32, #tpu.memory_space<vmem>> -> memref<128xi32, #tpu.memory_space<vmem>>
    %dma_start3A_836 = arith.constant 0 : i32
    %dma_start3A_837 = arith.constant 0 : i32
    %dma_start3A_838 = tpu.memref_slice %arg3[%dma_start3A_836, %dma_start3A_837] : memref<1000x128xf32, #tpu.memory_space<hbm>> -> memref<1000x128xf32, #tpu.memory_space<hbm>>
    tpu.enqueue_indirect_dma source(%dma_start3A_838 : memref<1000x128xf32, #tpu.memory_space<hbm>>) target(%dma_start3A_832 : memref<128x128xf32, #tpu.memory_space<vmem>>) offsets(%dma_start3A_835 : memref<128xi32, #tpu.memory_space<vmem>>) semaphore(%arg8 : memref<!tpu.dma_semaphore, #tpu.memory_space<semaphore_mem>>)
    %get3A_839 = arith.constant 384 : index
    %get3A_840 = tpu.vector_load %arg5[%get3A_839] {strides = array<i32>} : memref<512xi32, #tpu.memory_space<vmem>>, vector<16xi32>,
    %get3A_841 = vector.shape_cast %get3A_840 : vector<16xi32> to vector<16xi32>
    %mul3A_842 = arith.constant -1640531535 : i32
    %mul3A_843 = vector.broadcast %mul3A_842 : i32 to vector<16xi32>
    %mul3A_844 = arith.muli %get3A_841, %mul3A_843 : vector<16xi32>
    %jit3A_845 = arith.constant 1000 : i32
    %eq3A_846 = arith.constant 0 : i32
    %eq3A_847 = arith.cmpi eq, %jit3A_845, %eq3A_846 : i32
    %jit3A_848 = arith.constant 1 : i32
    %select_n3A_849 = arith.select %eq3A_847, %jit3A_848, %jit3A_845 : i32
    %rem3A_850 = vector.broadcast %select_n3A_849 : i32 to vector<16xi32>
    %rem3A_851 = arith.remui %mul3A_844, %rem3A_850 : vector<16xi32>
    %ne3A_852 = arith.constant 0 : i32
    %ne3A_853 = vector.broadcast %ne3A_852 : i32 to vector<16xi32>
    %ne3A_854 = arith.cmpi ne, %rem3A_851, %ne3A_853 : vector<16xi32>
    %lt3A_855 = arith.constant 0 : i32
    %lt3A_856 = vector.broadcast %lt3A_855 : i32 to vector<16xi32>
    %lt3A_857 = arith.cmpi ult, %rem3A_851, %lt3A_856 : vector<16xi32>
    %lt3A_858 = arith.constant 0 : i32
    %lt3A_859 = arith.cmpi ult, %select_n3A_849, %lt3A_858 : i32
    %ne3A_860 = vector.broadcast %lt3A_859 : i1 to vector<16xi1>
    %ne3A_861 = vector.broadcast %ne3A_860 : vector<16xi1> to vector<16xi1>
    %ne3A_862 = arith.xori %lt3A_857, %ne3A_861 : vector<16xi1>
    %and3A_863 = arith.andi %ne3A_862, %ne3A_854 : vector<16xi1>
    %add3A_864 = vector.broadcast %select_n3A_849 : i32 to vector<16xi32>
    %add3A_865 = arith.addi %rem3A_851, %add3A_864 : vector<16xi32>
    %select_n3A_866 = arith.select %and3A_863, %add3A_865, %rem3A_851 : vector<16xi1>, vector<16xi32>
    %swap3A_867 = arith.constant 3 : i32
    %swap3A_868 = arith.index_cast %swap3A_867 : i32 to index
    %swap3A_869 = arith.constant 0 : index
    %swap3A_870 = tpu.vector_load %arg6[%swap3A_868, %swap3A_869] {strides = array<i32>} : memref<4x128xi32, #tpu.memory_space<vmem>>, vector<1x16xi32>,
    %swap3A_871 = vector.shape_cast %swap3A_870 : vector<1x16xi32> to vector<16xi32>
    %swap3A_872 = vector.shape_cast %select_n3A_866 : vector<16xi32> to vector<1x16xi32>
    tpu.vector_store %arg6[%swap3A_868, %swap3A_869], %swap3A_872 {strides = array<i32>} : memref<4x128xi32, #tpu.memory_space<vmem>>, vector<1x16xi32>,
    %get3A_873 = arith.constant 400 : index
    %get3A_874 = tpu.vector_load %arg5[%get3A_873] {strides = array<i32>} : memref<512xi32, #tpu.memory_space<vmem>>, vector<16xi32>,
    %get3A_875 = vector.shape_cast %get3A_874 : vector<16xi32> to vector<16xi32>
    %mul3A_876 = arith.constant -1640531535 : i32
    %mul3A_877 = vector.broadcast %mul3A_876 : i32 to vector<16xi32>
    %mul3A_878 = arith.muli %get3A_875, %mul3A_877 : vector<16xi32>
    %jit3A_879 = arith.constant 1000 : i32
    %eq3A_880 = arith.constant 0 : i32
    %eq3A_881 = arith.cmpi eq, %jit3A_879, %eq3A_880 : i32
    %jit3A_882 = arith.constant 1 : i32
    %select_n3A_883 = arith.select %eq3A_881, %jit3A_882, %jit3A_879 : i32
    %rem3A_884 = vector.broadcast %select_n3A_883 : i32 to vector<16xi32>
    %rem3A_885 = arith.remui %mul3A_878, %rem3A_884 : vector<16xi32>
    %ne3A_886 = arith.constant 0 : i32
    %ne3A_887 = vector.broadcast %ne3A_886 : i32 to vector<16xi32>
    %ne3A_888 = arith.cmpi ne, %rem3A_885, %ne3A_887 : vector<16xi32>
    %lt3A_889 = arith.constant 0 : i32
    %lt3A_890 = vector.broadcast %lt3A_889 : i32 to vector<16xi32>
    %lt3A_891 = arith.cmpi ult, %rem3A_885, %lt3A_890 : vector<16xi32>
    %lt3A_892 = arith.constant 0 : i32
    %lt3A_893 = arith.cmpi ult, %select_n3A_883, %lt3A_892 : i32
    %ne3A_894 = vector.broadcast %lt3A_893 : i1 to vector<16xi1>
    %ne3A_895 = vector.broadcast %ne3A_894 : vector<16xi1> to vector<16xi1>
    %ne3A_896 = arith.xori %lt3A_891, %ne3A_895 : vector<16xi1>
    %and3A_897 = arith.andi %ne3A_896, %ne3A_888 : vector<16xi1>
    %add3A_898 = vector.broadcast %select_n3A_883 : i32 to vector<16xi32>
    %add3A_899 = arith.addi %rem3A_885, %add3A_898 : vector<16xi32>
    %select_n3A_900 = arith.select %and3A_897, %add3A_899, %rem3A_885 : vector<16xi1>, vector<16xi32>
    %swap3A_901 = arith.constant 3 : i32
    %swap3A_902 = arith.index_cast %swap3A_901 : i32 to index
    %swap3A_903 = arith.constant 16 : index
    %swap3A_904 = tpu.vector_load %arg6[%swap3A_902, %swap3A_903] {strides = array<i32>} : memref<4x128xi32, #tpu.memory_space<vmem>>, vector<1x16xi32>,
    %swap3A_905 = vector.shape_cast %swap3A_904 : vector<1x16xi32> to vector<16xi32>
    %swap3A_906 = vector.shape_cast %select_n3A_900 : vector<16xi32> to vector<1x16xi32>
    tpu.vector_store %arg6[%swap3A_902, %swap3A_903], %swap3A_906 {strides = array<i32>} : memref<4x128xi32, #tpu.memory_space<vmem>>, vector<1x16xi32>,
    %get3A_907 = arith.constant 416 : index
    %get3A_908 = tpu.vector_load %arg5[%get3A_907] {strides = array<i32>} : memref<512xi32, #tpu.memory_space<vmem>>, vector<16xi32>,
    %get3A_909 = vector.shape_cast %get3A_908 : vector<16xi32> to vector<16xi32>
    %mul3A_910 = arith.constant -1640531535 : i32
    %mul3A_911 = vector.broadcast %mul3A_910 : i32 to vector<16xi32>
    %mul3A_912 = arith.muli %get3A_909, %mul3A_911 : vector<16xi32>
    %jit3A_913 = arith.constant 1000 : i32
    %eq3A_914 = arith.constant 0 : i32
    %eq3A_915 = arith.cmpi eq, %jit3A_913, %eq3A_914 : i32
    %jit3A_916 = arith.constant 1 : i32
    %select_n3A_917 = arith.select %eq3A_915, %jit3A_916, %jit3A_913 : i32
    %rem3A_918 = vector.broadcast %select_n3A_917 : i32 to vector<16xi32>
    %rem3A_919 = arith.remui %mul3A_912, %rem3A_918 : vector<16xi32>
    %ne3A_920 = arith.constant 0 : i32
    %ne3A_921 = vector.broadcast %ne3A_920 : i32 to vector<16xi32>
    %ne3A_922 = arith.cmpi ne, %rem3A_919, %ne3A_921 : vector<16xi32>
    %lt3A_923 = arith.constant 0 : i32
    %lt3A_924 = vector.broadcast %lt3A_923 : i32 to vector<16xi32>
    %lt3A_925 = arith.cmpi ult, %rem3A_919, %lt3A_924 : vector<16xi32>
    %lt3A_926 = arith.constant 0 : i32
    %lt3A_927 = arith.cmpi ult, %select_n3A_917, %lt3A_926 : i32
    %ne3A_928 = vector.broadcast %lt3A_927 : i1 to vector<16xi1>
    %ne3A_929 = vector.broadcast %ne3A_928 : vector<16xi1> to vector<16xi1>
    %ne3A_930 = arith.xori %lt3A_925, %ne3A_929 : vector<16xi1>
    %and3A_931 = arith.andi %ne3A_930, %ne3A_922 : vector<16xi1>
    %add3A_932 = vector.broadcast %select_n3A_917 : i32 to vector<16xi32>
    %add3A_933 = arith.addi %rem3A_919, %add3A_932 : vector<16xi32>
    %select_n3A_934 = arith.select %and3A_931, %add3A_933, %rem3A_919 : vector<16xi1>, vector<16xi32>
    %swap3A_935 = arith.constant 3 : i32
    %swap3A_936 = arith.index_cast %swap3A_935 : i32 to index
    %swap3A_937 = arith.constant 32 : index
    %swap3A_938 = tpu.vector_load %arg6[%swap3A_936, %swap3A_937] {strides = array<i32>} : memref<4x128xi32, #tpu.memory_space<vmem>>, vector<1x16xi32>,
    %swap3A_939 = vector.shape_cast %swap3A_938 : vector<1x16xi32> to vector<16xi32>
    %swap3A_940 = vector.shape_cast %select_n3A_934 : vector<16xi32> to vector<1x16xi32>
    tpu.vector_store %arg6[%swap3A_936, %swap3A_937], %swap3A_940 {strides = array<i32>} : memref<4x128xi32, #tpu.memory_space<vmem>>, vector<1x16xi32>,
    %get3A_941 = arith.constant 432 : index
    %get3A_942 = tpu.vector_load %arg5[%get3A_941] {strides = array<i32>} : memref<512xi32, #tpu.memory_space<vmem>>, vector<16xi32>,
    %get3A_943 = vector.shape_cast %get3A_942 : vector<16xi32> to vector<16xi32>
    %mul3A_944 = arith.constant -1640531535 : i32
    %mul3A_945 = vector.broadcast %mul3A_944 : i32 to vector<16xi32>
    %mul3A_946 = arith.muli %get3A_943, %mul3A_945 : vector<16xi32>
    %jit3A_947 = arith.constant 1000 : i32
    %eq3A_948 = arith.constant 0 : i32
    %eq3A_949 = arith.cmpi eq, %jit3A_947, %eq3A_948 : i32
    %jit3A_950 = arith.constant 1 : i32
    %select_n3A_951 = arith.select %eq3A_949, %jit3A_950, %jit3A_947 : i32
    %rem3A_952 = vector.broadcast %select_n3A_951 : i32 to vector<16xi32>
    %rem3A_953 = arith.remui %mul3A_946, %rem3A_952 : vector<16xi32>
    %ne3A_954 = arith.constant 0 : i32
    %ne3A_955 = vector.broadcast %ne3A_954 : i32 to vector<16xi32>
    %ne3A_956 = arith.cmpi ne, %rem3A_953, %ne3A_955 : vector<16xi32>
    %lt3A_957 = arith.constant 0 : i32
    %lt3A_958 = vector.broadcast %lt3A_957 : i32 to vector<16xi32>
    %lt3A_959 = arith.cmpi ult, %rem3A_953, %lt3A_958 : vector<16xi32>
    %lt3A_960 = arith.constant 0 : i32
    %lt3A_961 = arith.cmpi ult, %select_n3A_951, %lt3A_960 : i32
    %ne3A_962 = vector.broadcast %lt3A_961 : i1 to vector<16xi1>
    %ne3A_963 = vector.broadcast %ne3A_962 : vector<16xi1> to vector<16xi1>
    %ne3A_964 = arith.xori %lt3A_959, %ne3A_963 : vector<16xi1>
    %and3A_965 = arith.andi %ne3A_964, %ne3A_956 : vector<16xi1>
    %add3A_966 = vector.broadcast %select_n3A_951 : i32 to vector<16xi32>
    %add3A_967 = arith.addi %rem3A_953, %add3A_966 : vector<16xi32>
    %select_n3A_968 = arith.select %and3A_965, %add3A_967, %rem3A_953 : vector<16xi1>, vector<16xi32>
    %swap3A_969 = arith.constant 3 : i32
    %swap3A_970 = arith.index_cast %swap3A_969 : i32 to index
    %swap3A_971 = arith.constant 48 : index
    %swap3A_972 = tpu.vector_load %arg6[%swap3A_970, %swap3A_971] {strides = array<i32>} : memref<4x128xi32, #tpu.memory_space<vmem>>, vector<1x16xi32>,
    %swap3A_973 = vector.shape_cast %swap3A_972 : vector<1x16xi32> to vector<16xi32>
    %swap3A_974 = vector.shape_cast %select_n3A_968 : vector<16xi32> to vector<1x16xi32>
    tpu.vector_store %arg6[%swap3A_970, %swap3A_971], %swap3A_974 {strides = array<i32>} : memref<4x128xi32, #tpu.memory_space<vmem>>, vector<1x16xi32>,
    %get3A_975 = arith.constant 448 : index
    %get3A_976 = tpu.vector_load %arg5[%get3A_975] {strides = array<i32>} : memref<512xi32, #tpu.memory_space<vmem>>, vector<16xi32>,
    %get3A_977 = vector.shape_cast %get3A_976 : vector<16xi32> to vector<16xi32>
    %mul3A_978 = arith.constant -1640531535 : i32
    %mul3A_979 = vector.broadcast %mul3A_978 : i32 to vector<16xi32>
    %mul3A_980 = arith.muli %get3A_977, %mul3A_979 : vector<16xi32>
    %jit3A_981 = arith.constant 1000 : i32
    %eq3A_982 = arith.constant 0 : i32
    %eq3A_983 = arith.cmpi eq, %jit3A_981, %eq3A_982 : i32
    %jit3A_984 = arith.constant 1 : i32
    %select_n3A_985 = arith.select %eq3A_983, %jit3A_984, %jit3A_981 : i32
    %rem3A_986 = vector.broadcast %select_n3A_985 : i32 to vector<16xi32>
    %rem3A_987 = arith.remui %mul3A_980, %rem3A_986 : vector<16xi32>
    %ne3A_988 = arith.constant 0 : i32
    %ne3A_989 = vector.broadcast %ne3A_988 : i32 to vector<16xi32>
    %ne3A_990 = arith.cmpi ne, %rem3A_987, %ne3A_989 : vector<16xi32>
    %lt3A_991 = arith.constant 0 : i32
    %lt3A_992 = vector.broadcast %lt3A_991 : i32 to vector<16xi32>
    %lt3A_993 = arith.cmpi ult, %rem3A_987, %lt3A_992 : vector<16xi32>
    %lt3A_994 = arith.constant 0 : i32
    %lt3A_995 = arith.cmpi ult, %select_n3A_985, %lt3A_994 : i32
    %ne3A_996 = vector.broadcast %lt3A_995 : i1 to vector<16xi1>
    %ne3A_997 = vector.broadcast %ne3A_996 : vector<16xi1> to vector<16xi1>
    %ne3A_998 = arith.xori %lt3A_993, %ne3A_997 : vector<16xi1>
    %and3A_999 = arith.andi %ne3A_998, %ne3A_990 : vector<16xi1>
    %add3A_1000 = vector.broadcast %select_n3A_985 : i32 to vector<16xi32>
    %add3A_1001 = arith.addi %rem3A_987, %add3A_1000 : vector<16xi32>
    %select_n3A_1002 = arith.select %and3A_999, %add3A_1001, %rem3A_987 : vector<16xi1>, vector<16xi32>
    %swap3A_1003 = arith.constant 3 : i32
    %swap3A_1004 = arith.index_cast %swap3A_1003 : i32 to index
    %swap3A_1005 = arith.constant 64 : index
    %swap3A_1006 = tpu.vector_load %arg6[%swap3A_1004, %swap3A_1005] {strides = array<i32>} : memref<4x128xi32, #tpu.memory_space<vmem>>, vector<1x16xi32>,
    %swap3A_1007 = vector.shape_cast %swap3A_1006 : vector<1x16xi32> to vector<16xi32>
    %swap3A_1008 = vector.shape_cast %select_n3A_1002 : vector<16xi32> to vector<1x16xi32>
    tpu.vector_store %arg6[%swap3A_1004, %swap3A_1005], %swap3A_1008 {strides = array<i32>} : memref<4x128xi32, #tpu.memory_space<vmem>>, vector<1x16xi32>,
    %get3A_1009 = arith.constant 464 : index
    %get3A_1010 = tpu.vector_load %arg5[%get3A_1009] {strides = array<i32>} : memref<512xi32, #tpu.memory_space<vmem>>, vector<16xi32>,
    %get3A_1011 = vector.shape_cast %get3A_1010 : vector<16xi32> to vector<16xi32>
    %mul3A_1012 = arith.constant -1640531535 : i32
    %mul3A_1013 = vector.broadcast %mul3A_1012 : i32 to vector<16xi32>
    %mul3A_1014 = arith.muli %get3A_1011, %mul3A_1013 : vector<16xi32>
    %jit3A_1015 = arith.constant 1000 : i32
    %eq3A_1016 = arith.constant 0 : i32
    %eq3A_1017 = arith.cmpi eq, %jit3A_1015, %eq3A_1016 : i32
    %jit3A_1018 = arith.constant 1 : i32
    %select_n3A_1019 = arith.select %eq3A_1017, %jit3A_1018, %jit3A_1015 : i32
    %rem3A_1020 = vector.broadcast %select_n3A_1019 : i32 to vector<16xi32>
    %rem3A_1021 = arith.remui %mul3A_1014, %rem3A_1020 : vector<16xi32>
    %ne3A_1022 = arith.constant 0 : i32
    %ne3A_1023 = vector.broadcast %ne3A_1022 : i32 to vector<16xi32>
    %ne3A_1024 = arith.cmpi ne, %rem3A_1021, %ne3A_1023 : vector<16xi32>
    %lt3A_1025 = arith.constant 0 : i32
    %lt3A_1026 = vector.broadcast %lt3A_1025 : i32 to vector<16xi32>
    %lt3A_1027 = arith.cmpi ult, %rem3A_1021, %lt3A_1026 : vector<16xi32>
    %lt3A_1028 = arith.constant 0 : i32
    %lt3A_1029 = arith.cmpi ult, %select_n3A_1019, %lt3A_1028 : i32
    %ne3A_1030 = vector.broadcast %lt3A_1029 : i1 to vector<16xi1>
    %ne3A_1031 = vector.broadcast %ne3A_1030 : vector<16xi1> to vector<16xi1>
    %ne3A_1032 = arith.xori %lt3A_1027, %ne3A_1031 : vector<16xi1>
    %and3A_1033 = arith.andi %ne3A_1032, %ne3A_1024 : vector<16xi1>
    %add3A_1034 = vector.broadcast %select_n3A_1019 : i32 to vector<16xi32>
    %add3A_1035 = arith.addi %rem3A_1021, %add3A_1034 : vector<16xi32>
    %select_n3A_1036 = arith.select %and3A_1033, %add3A_1035, %rem3A_1021 : vector<16xi1>, vector<16xi32>
    %swap3A_1037 = arith.constant 3 : i32
    %swap3A_1038 = arith.index_cast %swap3A_1037 : i32 to index
    %swap3A_1039 = arith.constant 80 : index
    %swap3A_1040 = tpu.vector_load %arg6[%swap3A_1038, %swap3A_1039] {strides = array<i32>} : memref<4x128xi32, #tpu.memory_space<vmem>>, vector<1x16xi32>,
    %swap3A_1041 = vector.shape_cast %swap3A_1040 : vector<1x16xi32> to vector<16xi32>
    %swap3A_1042 = vector.shape_cast %select_n3A_1036 : vector<16xi32> to vector<1x16xi32>
    tpu.vector_store %arg6[%swap3A_1038, %swap3A_1039], %swap3A_1042 {strides = array<i32>} : memref<4x128xi32, #tpu.memory_space<vmem>>, vector<1x16xi32>,
    %get3A_1043 = arith.constant 480 : index
    %get3A_1044 = tpu.vector_load %arg5[%get3A_1043] {strides = array<i32>} : memref<512xi32, #tpu.memory_space<vmem>>, vector<16xi32>,
    %get3A_1045 = vector.shape_cast %get3A_1044 : vector<16xi32> to vector<16xi32>
    %mul3A_1046 = arith.constant -1640531535 : i32
    %mul3A_1047 = vector.broadcast %mul3A_1046 : i32 to vector<16xi32>
    %mul3A_1048 = arith.muli %get3A_1045, %mul3A_1047 : vector<16xi32>
    %jit3A_1049 = arith.constant 1000 : i32
    %eq3A_1050 = arith.constant 0 : i32
    %eq3A_1051 = arith.cmpi eq, %jit3A_1049, %eq3A_1050 : i32
    %jit3A_1052 = arith.constant 1 : i32
    %select_n3A_1053 = arith.select %eq3A_1051, %jit3A_1052, %jit3A_1049 : i32
    %rem3A_1054 = vector.broadcast %select_n3A_1053 : i32 to vector<16xi32>
    %rem3A_1055 = arith.remui %mul3A_1048, %rem3A_1054 : vector<16xi32>
    %ne3A_1056 = arith.constant 0 : i32
    %ne3A_1057 = vector.broadcast %ne3A_1056 : i32 to vector<16xi32>
    %ne3A_1058 = arith.cmpi ne, %rem3A_1055, %ne3A_1057 : vector<16xi32>
    %lt3A_1059 = arith.constant 0 : i32
    %lt3A_1060 = vector.broadcast %lt3A_1059 : i32 to vector<16xi32>
    %lt3A_1061 = arith.cmpi ult, %rem3A_1055, %lt3A_1060 : vector<16xi32>
    %lt3A_1062 = arith.constant 0 : i32
    %lt3A_1063 = arith.cmpi ult, %select_n3A_1053, %lt3A_1062 : i32
    %ne3A_1064 = vector.broadcast %lt3A_1063 : i1 to vector<16xi1>
    %ne3A_1065 = vector.broadcast %ne3A_1064 : vector<16xi1> to vector<16xi1>
    %ne3A_1066 = arith.xori %lt3A_1061, %ne3A_1065 : vector<16xi1>
    %and3A_1067 = arith.andi %ne3A_1066, %ne3A_1058 : vector<16xi1>
    %add3A_1068 = vector.broadcast %select_n3A_1053 : i32 to vector<16xi32>
    %add3A_1069 = arith.addi %rem3A_1055, %add3A_1068 : vector<16xi32>
    %select_n3A_1070 = arith.select %and3A_1067, %add3A_1069, %rem3A_1055 : vector<16xi1>, vector<16xi32>
    %swap3A_1071 = arith.constant 3 : i32
    %swap3A_1072 = arith.index_cast %swap3A_1071 : i32 to index
    %swap3A_1073 = arith.constant 96 : index
    %swap3A_1074 = tpu.vector_load %arg6[%swap3A_1072, %swap3A_1073] {strides = array<i32>} : memref<4x128xi32, #tpu.memory_space<vmem>>, vector<1x16xi32>,
    %swap3A_1075 = vector.shape_cast %swap3A_1074 : vector<1x16xi32> to vector<16xi32>
    %swap3A_1076 = vector.shape_cast %select_n3A_1070 : vector<16xi32> to vector<1x16xi32>
    tpu.vector_store %arg6[%swap3A_1072, %swap3A_1073], %swap3A_1076 {strides = array<i32>} : memref<4x128xi32, #tpu.memory_space<vmem>>, vector<1x16xi32>,
    %get3A_1077 = arith.constant 496 : index
    %get3A_1078 = tpu.vector_load %arg5[%get3A_1077] {strides = array<i32>} : memref<512xi32, #tpu.memory_space<vmem>>, vector<16xi32>,
    %get3A_1079 = vector.shape_cast %get3A_1078 : vector<16xi32> to vector<16xi32>
    %mul3A_1080 = arith.constant -1640531535 : i32
    %mul3A_1081 = vector.broadcast %mul3A_1080 : i32 to vector<16xi32>
    %mul3A_1082 = arith.muli %get3A_1079, %mul3A_1081 : vector<16xi32>
    %jit3A_1083 = arith.constant 1000 : i32
    %eq3A_1084 = arith.constant 0 : i32
    %eq3A_1085 = arith.cmpi eq, %jit3A_1083, %eq3A_1084 : i32
    %jit3A_1086 = arith.constant 1 : i32
    %select_n3A_1087 = arith.select %eq3A_1085, %jit3A_1086, %jit3A_1083 : i32
    %rem3A_1088 = vector.broadcast %select_n3A_1087 : i32 to vector<16xi32>
    %rem3A_1089 = arith.remui %mul3A_1082, %rem3A_1088 : vector<16xi32>
    %ne3A_1090 = arith.constant 0 : i32
    %ne3A_1091 = vector.broadcast %ne3A_1090 : i32 to vector<16xi32>
    %ne3A_1092 = arith.cmpi ne, %rem3A_1089, %ne3A_1091 : vector<16xi32>
    %lt3A_1093 = arith.constant 0 : i32
    %lt3A_1094 = vector.broadcast %lt3A_1093 : i32 to vector<16xi32>
    %lt3A_1095 = arith.cmpi ult, %rem3A_1089, %lt3A_1094 : vector<16xi32>
    %lt3A_1096 = arith.constant 0 : i32
    %lt3A_1097 = arith.cmpi ult, %select_n3A_1087, %lt3A_1096 : i32
    %ne3A_1098 = vector.broadcast %lt3A_1097 : i1 to vector<16xi1>
    %ne3A_1099 = vector.broadcast %ne3A_1098 : vector<16xi1> to vector<16xi1>
    %ne3A_1100 = arith.xori %lt3A_1095, %ne3A_1099 : vector<16xi1>
    %and3A_1101 = arith.andi %ne3A_1100, %ne3A_1092 : vector<16xi1>
    %add3A_1102 = vector.broadcast %select_n3A_1087 : i32 to vector<16xi32>
    %add3A_1103 = arith.addi %rem3A_1089, %add3A_1102 : vector<16xi32>
    %select_n3A_1104 = arith.select %and3A_1101, %add3A_1103, %rem3A_1089 : vector<16xi1>, vector<16xi32>
    %swap3A_1105 = arith.constant 3 : i32
    %swap3A_1106 = arith.index_cast %swap3A_1105 : i32 to index
    %swap3A_1107 = arith.constant 112 : index
    %swap3A_1108 = tpu.vector_load %arg6[%swap3A_1106, %swap3A_1107] {strides = array<i32>} : memref<4x128xi32, #tpu.memory_space<vmem>>, vector<1x16xi32>,
    %swap3A_1109 = vector.shape_cast %swap3A_1108 : vector<1x16xi32> to vector<16xi32>
    %swap3A_1110 = vector.shape_cast %select_n3A_1104 : vector<16xi32> to vector<1x16xi32>
    tpu.vector_store %arg6[%swap3A_1106, %swap3A_1107], %swap3A_1110 {strides = array<i32>} : memref<4x128xi32, #tpu.memory_space<vmem>>, vector<1x16xi32>,
    %dma_start3A_1111 = arith.constant 3 : i32
    %dma_start3A_1112 = arith.constant 384 : i32
    %dma_start3A_1113 = arith.constant 0 : i32
    %dma_start3A_1114 = tpu.memref_slice %arg7[%dma_start3A_1112, %dma_start3A_1113] : memref<512x128xf32, #tpu.memory_space<vmem>> -> memref<128x128xf32, #tpu.memory_space<vmem>>
    %dma_start3A_1115 = arith.constant 0 : i32
    %dma_start3A_1116 = tpu.memref_slice %arg6[%dma_start3A_1111, %dma_start3A_1115] : memref<4x128xi32, #tpu.memory_space<vmem>> -> memref<1x128xi32, #tpu.memory_space<vmem>>
    %dma_start3A_1117 = tpu.memref_squeeze %dma_start3A_1116 : memref<1x128xi32, #tpu.memory_space<vmem>> -> memref<128xi32, #tpu.memory_space<vmem>>
    %dma_start3A_1118 = arith.constant 0 : i32
    %dma_start3A_1119 = arith.constant 0 : i32
    %dma_start3A_1120 = tpu.memref_slice %arg3[%dma_start3A_1118, %dma_start3A_1119] : memref<1000x128xf32, #tpu.memory_space<hbm>> -> memref<1000x128xf32, #tpu.memory_space<hbm>>
    tpu.enqueue_indirect_dma source(%dma_start3A_1120 : memref<1000x128xf32, #tpu.memory_space<hbm>>) target(%dma_start3A_1114 : memref<128x128xf32, #tpu.memory_space<vmem>>) offsets(%dma_start3A_1117 : memref<128xi32, #tpu.memory_space<vmem>>) semaphore(%arg8 : memref<!tpu.dma_semaphore, #tpu.memory_space<semaphore_mem>>)
    %dma_wait3A = arith.constant 0 : i32
    %dma_wait3A_1121 = arith.constant 0 : i32
    %dma_wait3A_1122 = arith.constant 0 : i32
    %dma_wait3A_1123 = tpu.memref_slice %arg7[%dma_wait3A_1121, %dma_wait3A_1122] : memref<512x128xf32, #tpu.memory_space<vmem>> -> memref<128x128xf32, #tpu.memory_space<vmem>>
    %dma_wait3A_1124 = arith.constant 0 : i32
    %dma_wait3A_1125 = tpu.memref_slice %arg6[%dma_wait3A, %dma_wait3A_1124] : memref<4x128xi32, #tpu.memory_space<vmem>> -> memref<1x128xi32, #tpu.memory_space<vmem>>
    %dma_wait3A_1126 = tpu.memref_squeeze %dma_wait3A_1125 : memref<1x128xi32, #tpu.memory_space<vmem>> -> memref<128xi32, #tpu.memory_space<vmem>>
    %dma_wait3A_1127 = arith.constant 0 : i32
    %dma_wait3A_1128 = arith.constant 0 : i32
    %dma_wait3A_1129 = tpu.memref_slice %arg3[%dma_wait3A_1127, %dma_wait3A_1128] : memref<1000x128xf32, #tpu.memory_space<hbm>> -> memref<1000x128xf32, #tpu.memory_space<hbm>>
    tpu.wait_indirect_dma semaphore(%arg8 : memref<!tpu.dma_semaphore, #tpu.memory_space<semaphore_mem>>) src(%dma_wait3A_1129 : memref<1000x128xf32, #tpu.memory_space<hbm>>) dst(%dma_wait3A_1123 : memref<128x128xf32, #tpu.memory_space<vmem>>)
    %add3A_1130 = arith.constant 0 : i32
    %add3A_1131 = arith.addi %mul3A_2, %add3A_1130 : i32
    %dma_start3A_1132 = arith.constant 0 : i32
    %dma_start3A_1133 = arith.constant 0 : i32
    %dma_start3A_1134 = tpu.memref_slice %arg7[%dma_start3A_1132, %dma_start3A_1133] : memref<512x128xf32, #tpu.memory_space<vmem>> -> memref<128x128xf32, #tpu.memory_space<vmem>>
    %dma_start3A_1135 = arith.constant 0 : i32
    %dma_start3A_1136 = tpu.memref_slice %arg4[%add3A_1131, %dma_start3A_1135] : memref<16384x128xf32, #tpu.memory_space<hbm>> -> memref<128x128xf32, #tpu.memory_space<hbm>>
    %dma_start3A_1137 = arith.constant 0 : i32
    %dma_start3A_1138 = tpu.memref_slice %arg4[%add3A_1131, %dma_start3A_1137] : memref<16384x128xf32, #tpu.memory_space<hbm>> -> memref<128x128xf32, #tpu.memory_space<hbm>>
    %dma_start3A_1139 = arith.constant 0 : i32
    %dma_start3A_1140 = arith.constant 0 : i32
    %dma_start3A_1141 = tpu.memref_slice %arg7[%dma_start3A_1139, %dma_start3A_1140] : memref<512x128xf32, #tpu.memory_space<vmem>> -> memref<128x128xf32, #tpu.memory_space<vmem>>
    tpu.enqueue_dma source(%dma_start3A_1141 : memref<128x128xf32, #tpu.memory_space<vmem>>) target(%dma_start3A_1138 : memref<128x128xf32, #tpu.memory_space<hbm>>) target_semaphore(%arg9 : memref<!tpu.dma_semaphore, #tpu.memory_space<semaphore_mem>>)
    %dma_wait3A_1142 = arith.constant 1 : i32
    %dma_wait3A_1143 = arith.constant 128 : i32
    %dma_wait3A_1144 = arith.constant 0 : i32
    %dma_wait3A_1145 = tpu.memref_slice %arg7[%dma_wait3A_1143, %dma_wait3A_1144] : memref<512x128xf32, #tpu.memory_space<vmem>> -> memref<128x128xf32, #tpu.memory_space<vmem>>
    %dma_wait3A_1146 = arith.constant 0 : i32
    %dma_wait3A_1147 = tpu.memref_slice %arg6[%dma_wait3A_1142, %dma_wait3A_1146] : memref<4x128xi32, #tpu.memory_space<vmem>> -> memref<1x128xi32, #tpu.memory_space<vmem>>
    %dma_wait3A_1148 = tpu.memref_squeeze %dma_wait3A_1147 : memref<1x128xi32, #tpu.memory_space<vmem>> -> memref<128xi32, #tpu.memory_space<vmem>>
    %dma_wait3A_1149 = arith.constant 0 : i32
    %dma_wait3A_1150 = arith.constant 0 : i32
    %dma_wait3A_1151 = tpu.memref_slice %arg3[%dma_wait3A_1149, %dma_wait3A_1150] : memref<1000x128xf32, #tpu.memory_space<hbm>> -> memref<1000x128xf32, #tpu.memory_space<hbm>>
    tpu.wait_indirect_dma semaphore(%arg8 : memref<!tpu.dma_semaphore, #tpu.memory_space<semaphore_mem>>) src(%dma_wait3A_1151 : memref<1000x128xf32, #tpu.memory_space<hbm>>) dst(%dma_wait3A_1145 : memref<128x128xf32, #tpu.memory_space<vmem>>)
    %add3A_1152 = arith.constant 128 : i32
    %add3A_1153 = arith.addi %mul3A_2, %add3A_1152 : i32
    %dma_start3A_1154 = arith.constant 128 : i32
    %dma_start3A_1155 = arith.constant 0 : i32
    %dma_start3A_1156 = tpu.memref_slice %arg7[%dma_start3A_1154, %dma_start3A_1155] : memref<512x128xf32, #tpu.memory_space<vmem>> -> memref<128x128xf32, #tpu.memory_space<vmem>>
    %dma_start3A_1157 = arith.constant 0 : i32
    %dma_start3A_1158 = tpu.memref_slice %arg4[%add3A_1153, %dma_start3A_1157] : memref<16384x128xf32, #tpu.memory_space<hbm>> -> memref<128x128xf32, #tpu.memory_space<hbm>>
    %dma_start3A_1159 = arith.constant 0 : i32
    %dma_start3A_1160 = tpu.memref_slice %arg4[%add3A_1153, %dma_start3A_1159] : memref<16384x128xf32, #tpu.memory_space<hbm>> -> memref<128x128xf32, #tpu.memory_space<hbm>>
    %dma_start3A_1161 = arith.constant 128 : i32
    %dma_start3A_1162 = arith.constant 0 : i32
    %dma_start3A_1163 = tpu.memref_slice %arg7[%dma_start3A_1161, %dma_start3A_1162] : memref<512x128xf32, #tpu.memory_space<vmem>> -> memref<128x128xf32, #tpu.memory_space<vmem>>
    tpu.enqueue_dma source(%dma_start3A_1163 : memref<128x128xf32, #tpu.memory_space<vmem>>) target(%dma_start3A_1160 : memref<128x128xf32, #tpu.memory_space<hbm>>) target_semaphore(%arg9 : memref<!tpu.dma_semaphore, #tpu.memory_space<semaphore_mem>>)
    %dma_wait3A_1164 = arith.constant 2 : i32
    %dma_wait3A_1165 = arith.constant 256 : i32
    %dma_wait3A_1166 = arith.constant 0 : i32
    %dma_wait3A_1167 = tpu.memref_slice %arg7[%dma_wait3A_1165, %dma_wait3A_1166] : memref<512x128xf32, #tpu.memory_space<vmem>> -> memref<128x128xf32, #tpu.memory_space<vmem>>
    %dma_wait3A_1168 = arith.constant 0 : i32
    %dma_wait3A_1169 = tpu.memref_slice %arg6[%dma_wait3A_1164, %dma_wait3A_1168] : memref<4x128xi32, #tpu.memory_space<vmem>> -> memref<1x128xi32, #tpu.memory_space<vmem>>
    %dma_wait3A_1170 = tpu.memref_squeeze %dma_wait3A_1169 : memref<1x128xi32, #tpu.memory_space<vmem>> -> memref<128xi32, #tpu.memory_space<vmem>>
    %dma_wait3A_1171 = arith.constant 0 : i32
    %dma_wait3A_1172 = arith.constant 0 : i32
    %dma_wait3A_1173 = tpu.memref_slice %arg3[%dma_wait3A_1171, %dma_wait3A_1172] : memref<1000x128xf32, #tpu.memory_space<hbm>> -> memref<1000x128xf32, #tpu.memory_space<hbm>>
    tpu.wait_indirect_dma semaphore(%arg8 : memref<!tpu.dma_semaphore, #tpu.memory_space<semaphore_mem>>) src(%dma_wait3A_1173 : memref<1000x128xf32, #tpu.memory_space<hbm>>) dst(%dma_wait3A_1167 : memref<128x128xf32, #tpu.memory_space<vmem>>)
    %add3A_1174 = arith.constant 256 : i32
    %add3A_1175 = arith.addi %mul3A_2, %add3A_1174 : i32
    %dma_start3A_1176 = arith.constant 256 : i32
    %dma_start3A_1177 = arith.constant 0 : i32
    %dma_start3A_1178 = tpu.memref_slice %arg7[%dma_start3A_1176, %dma_start3A_1177] : memref<512x128xf32, #tpu.memory_space<vmem>> -> memref<128x128xf32, #tpu.memory_space<vmem>>
    %dma_start3A_1179 = arith.constant 0 : i32
    %dma_start3A_1180 = tpu.memref_slice %arg4[%add3A_1175, %dma_start3A_1179] : memref<16384x128xf32, #tpu.memory_space<hbm>> -> memref<128x128xf32, #tpu.memory_space<hbm>>
    %dma_start3A_1181 = arith.constant 0 : i32
    %dma_start3A_1182 = tpu.memref_slice %arg4[%add3A_1175, %dma_start3A_1181] : memref<16384x128xf32, #tpu.memory_space<hbm>> -> memref<128x128xf32, #tpu.memory_space<hbm>>
    %dma_start3A_1183 = arith.constant 256 : i32
    %dma_start3A_1184 = arith.constant 0 : i32
    %dma_start3A_1185 = tpu.memref_slice %arg7[%dma_start3A_1183, %dma_start3A_1184] : memref<512x128xf32, #tpu.memory_space<vmem>> -> memref<128x128xf32, #tpu.memory_space<vmem>>
    tpu.enqueue_dma source(%dma_start3A_1185 : memref<128x128xf32, #tpu.memory_space<vmem>>) target(%dma_start3A_1182 : memref<128x128xf32, #tpu.memory_space<hbm>>) target_semaphore(%arg9 : memref<!tpu.dma_semaphore, #tpu.memory_space<semaphore_mem>>)
    %dma_wait3A_1186 = arith.constant 3 : i32
    %dma_wait3A_1187 = arith.constant 384 : i32
    %dma_wait3A_1188 = arith.constant 0 : i32
    %dma_wait3A_1189 = tpu.memref_slice %arg7[%dma_wait3A_1187, %dma_wait3A_1188] : memref<512x128xf32, #tpu.memory_space<vmem>> -> memref<128x128xf32, #tpu.memory_space<vmem>>
    %dma_wait3A_1190 = arith.constant 0 : i32
    %dma_wait3A_1191 = tpu.memref_slice %arg6[%dma_wait3A_1186, %dma_wait3A_1190] : memref<4x128xi32, #tpu.memory_space<vmem>> -> memref<1x128xi32, #tpu.memory_space<vmem>>
    %dma_wait3A_1192 = tpu.memref_squeeze %dma_wait3A_1191 : memref<1x128xi32, #tpu.memory_space<vmem>> -> memref<128xi32, #tpu.memory_space<vmem>>
    %dma_wait3A_1193 = arith.constant 0 : i32
    %dma_wait3A_1194 = arith.constant 0 : i32
    %dma_wait3A_1195 = tpu.memref_slice %arg3[%dma_wait3A_1193, %dma_wait3A_1194] : memref<1000x128xf32, #tpu.memory_space<hbm>> -> memref<1000x128xf32, #tpu.memory_space<hbm>>
    tpu.wait_indirect_dma semaphore(%arg8 : memref<!tpu.dma_semaphore, #tpu.memory_space<semaphore_mem>>) src(%dma_wait3A_1195 : memref<1000x128xf32, #tpu.memory_space<hbm>>) dst(%dma_wait3A_1189 : memref<128x128xf32, #tpu.memory_space<vmem>>)
    %add3A_1196 = arith.constant 384 : i32
    %add3A_1197 = arith.addi %mul3A_2, %add3A_1196 : i32
    %dma_start3A_1198 = arith.constant 384 : i32
    %dma_start3A_1199 = arith.constant 0 : i32
    %dma_start3A_1200 = tpu.memref_slice %arg7[%dma_start3A_1198, %dma_start3A_1199] : memref<512x128xf32, #tpu.memory_space<vmem>> -> memref<128x128xf32, #tpu.memory_space<vmem>>
    %dma_start3A_1201 = arith.constant 0 : i32
    %dma_start3A_1202 = tpu.memref_slice %arg4[%add3A_1197, %dma_start3A_1201] : memref<16384x128xf32, #tpu.memory_space<hbm>> -> memref<128x128xf32, #tpu.memory_space<hbm>>
    %dma_start3A_1203 = arith.constant 0 : i32
    %dma_start3A_1204 = tpu.memref_slice %arg4[%add3A_1197, %dma_start3A_1203] : memref<16384x128xf32, #tpu.memory_space<hbm>> -> memref<128x128xf32, #tpu.memory_space<hbm>>
    %dma_start3A_1205 = arith.constant 384 : i32
    %dma_start3A_1206 = arith.constant 0 : i32
    %dma_start3A_1207 = tpu.memref_slice %arg7[%dma_start3A_1205, %dma_start3A_1206] : memref<512x128xf32, #tpu.memory_space<vmem>> -> memref<128x128xf32, #tpu.memory_space<vmem>>
    tpu.enqueue_dma source(%dma_start3A_1207 : memref<128x128xf32, #tpu.memory_space<vmem>>) target(%dma_start3A_1204 : memref<128x128xf32, #tpu.memory_space<hbm>>) target_semaphore(%arg9 : memref<!tpu.dma_semaphore, #tpu.memory_space<semaphore_mem>>)
    %dma_wait3A_1208 = arith.constant 0 : i32
    %dma_wait3A_1209 = arith.constant 0 : i32
    %dma_wait3A_1210 = tpu.memref_slice %arg7[%dma_wait3A_1208, %dma_wait3A_1209] : memref<512x128xf32, #tpu.memory_space<vmem>> -> memref<128x128xf32, #tpu.memory_space<vmem>>
    %dma_wait3A_1211 = arith.constant 0 : i32
    %dma_wait3A_1212 = tpu.memref_slice %arg4[%add3A_1131, %dma_wait3A_1211] : memref<16384x128xf32, #tpu.memory_space<hbm>> -> memref<128x128xf32, #tpu.memory_space<hbm>>
    %dma_wait3A_1213 = arith.constant 0 : i32
    %dma_wait3A_1214 = tpu.memref_slice %arg4[%add3A_1131, %dma_wait3A_1213] : memref<16384x128xf32, #tpu.memory_space<hbm>> -> memref<128x128xf32, #tpu.memory_space<hbm>>
    %dma_wait3A_1215 = arith.constant 0 : i32
    %dma_wait3A_1216 = arith.constant 0 : i32
    %dma_wait3A_1217 = tpu.memref_slice %arg7[%dma_wait3A_1215, %dma_wait3A_1216] : memref<512x128xf32, #tpu.memory_space<vmem>> -> memref<128x128xf32, #tpu.memory_space<vmem>>
    tpu.wait_dma2 semaphore(%arg9 : memref<!tpu.dma_semaphore, #tpu.memory_space<semaphore_mem>>) src(%dma_wait3A_1217 : memref<128x128xf32, #tpu.memory_space<vmem>>) dst(%dma_wait3A_1214 : memref<128x128xf32, #tpu.memory_space<hbm>>)
    %dma_wait3A_1218 = arith.constant 128 : i32
    %dma_wait3A_1219 = arith.constant 0 : i32
    %dma_wait3A_1220 = tpu.memref_slice %arg7[%dma_wait3A_1218, %dma_wait3A_1219] : memref<512x128xf32, #tpu.memory_space<vmem>> -> memref<128x128xf32, #tpu.memory_space<vmem>>
    %dma_wait3A_1221 = arith.constant 0 : i32
    %dma_wait3A_1222 = tpu.memref_slice %arg4[%add3A_1153, %dma_wait3A_1221] : memref<16384x128xf32, #tpu.memory_space<hbm>> -> memref<128x128xf32, #tpu.memory_space<hbm>>
    %dma_wait3A_1223 = arith.constant 0 : i32
    %dma_wait3A_1224 = tpu.memref_slice %arg4[%add3A_1153, %dma_wait3A_1223] : memref<16384x128xf32, #tpu.memory_space<hbm>> -> memref<128x128xf32, #tpu.memory_space<hbm>>
    %dma_wait3A_1225 = arith.constant 128 : i32
    %dma_wait3A_1226 = arith.constant 0 : i32
    %dma_wait3A_1227 = tpu.memref_slice %arg7[%dma_wait3A_1225, %dma_wait3A_1226] : memref<512x128xf32, #tpu.memory_space<vmem>> -> memref<128x128xf32, #tpu.memory_space<vmem>>
    tpu.wait_dma2 semaphore(%arg9 : memref<!tpu.dma_semaphore, #tpu.memory_space<semaphore_mem>>) src(%dma_wait3A_1227 : memref<128x128xf32, #tpu.memory_space<vmem>>) dst(%dma_wait3A_1224 : memref<128x128xf32, #tpu.memory_space<hbm>>)
    %dma_wait3A_1228 = arith.constant 256 : i32
    %dma_wait3A_1229 = arith.constant 0 : i32
    %dma_wait3A_1230 = tpu.memref_slice %arg7[%dma_wait3A_1228, %dma_wait3A_1229] : memref<512x128xf32, #tpu.memory_space<vmem>> -> memref<128x128xf32, #tpu.memory_space<vmem>>
    %dma_wait3A_1231 = arith.constant 0 : i32
    %dma_wait3A_1232 = tpu.memref_slice %arg4[%add3A_1175, %dma_wait3A_1231] : memref<16384x128xf32, #tpu.memory_space<hbm>> -> memref<128x128xf32, #tpu.memory_space<hbm>>
    %dma_wait3A_1233 = arith.constant 0 : i32
    %dma_wait3A_1234 = tpu.memref_slice %arg4[%add3A_1175, %dma_wait3A_1233] : memref<16384x128xf32, #tpu.memory_space<hbm>> -> memref<128x128xf32, #tpu.memory_space<hbm>>
    %dma_wait3A_1235 = arith.constant 256 : i32
    %dma_wait3A_1236 = arith.constant 0 : i32
    %dma_wait3A_1237 = tpu.memref_slice %arg7[%dma_wait3A_1235, %dma_wait3A_1236] : memref<512x128xf32, #tpu.memory_space<vmem>> -> memref<128x128xf32, #tpu.memory_space<vmem>>
    tpu.wait_dma2 semaphore(%arg9 : memref<!tpu.dma_semaphore, #tpu.memory_space<semaphore_mem>>) src(%dma_wait3A_1237 : memref<128x128xf32, #tpu.memory_space<vmem>>) dst(%dma_wait3A_1234 : memref<128x128xf32, #tpu.memory_space<hbm>>)
    %dma_wait3A_1238 = arith.constant 384 : i32
    %dma_wait3A_1239 = arith.constant 0 : i32
    %dma_wait3A_1240 = tpu.memref_slice %arg7[%dma_wait3A_1238, %dma_wait3A_1239] : memref<512x128xf32, #tpu.memory_space<vmem>> -> memref<128x128xf32, #tpu.memory_space<vmem>>
    %dma_wait3A_1241 = arith.constant 0 : i32
    %dma_wait3A_1242 = tpu.memref_slice %arg4[%add3A_1197, %dma_wait3A_1241] : memref<16384x128xf32, #tpu.memory_space<hbm>> -> memref<128x128xf32, #tpu.memory_space<hbm>>
    %dma_wait3A_1243 = arith.constant 0 : i32
    %dma_wait3A_1244 = tpu.memref_slice %arg4[%add3A_1197, %dma_wait3A_1243] : memref<16384x128xf32, #tpu.memory_space<hbm>> -> memref<128x128xf32, #tpu.memory_space<hbm>>
    %dma_wait3A_1245 = arith.constant 384 : i32
    %dma_wait3A_1246 = arith.constant 0 : i32
    %dma_wait3A_1247 = tpu.memref_slice %arg7[%dma_wait3A_1245, %dma_wait3A_1246] : memref<512x128xf32, #tpu.memory_space<vmem>> -> memref<128x128xf32, #tpu.memory_space<vmem>>
    tpu.wait_dma2 semaphore(%arg9 : memref<!tpu.dma_semaphore, #tpu.memory_space<semaphore_mem>>) src(%dma_wait3A_1247 : memref<128x128xf32, #tpu.memory_space<vmem>>) dst(%dma_wait3A_1244 : memref<128x128xf32, #tpu.memory_space<hbm>>)
    return
  }
}

module attributes {stable_mosaic.version = 14 : i64} {
  func.func @_tc_body(%arg0: i32, %arg1: memref<4096x128xf32, #tpu.memory_space<vmem>>, %arg2: memref<4096x10xf32, #tpu.memory_space<vmem>>, %arg3: memref<10x64xf32, #tpu.memory_space<vmem>>, %arg4: memref<1x64xf32, #tpu.memory_space<vmem>>, %arg5: memref<64x32xf32, #tpu.memory_space<vmem>>, %arg6: memref<1x32xf32, #tpu.memory_space<vmem>>, %arg7: memref<32x128xf32, #tpu.memory_space<vmem>>, %arg8: memref<1x128xf32, #tpu.memory_space<vmem>>, %arg9: memref<4096x128xf32, #tpu.memory_space<vmem>>) attributes {dimension_semantics = [#tpu.dimension_semantics<arbitrary>], iteration_bounds = array<i64: 4>, scalar_prefetch = 0 : i64, scratch_operands = 0 : i64, tpu.core_type = #tpu.core_type<tc>, window_params = [{transform_indices = @transform_0, window_bounds = array<i64: 4096, 128>}, {transform_indices = @transform_1, window_bounds = array<i64: 4096, 10>}, {pipeline_mode = #tpu.pipeline_mode<synchronous>, transform_indices = @transform_2, window_bounds = array<i64: 10, 64>}, {pipeline_mode = #tpu.pipeline_mode<synchronous>, transform_indices = @transform_3, window_bounds = array<i64: 1, 64>}, {pipeline_mode = #tpu.pipeline_mode<synchronous>, transform_indices = @transform_4, window_bounds = array<i64: 64, 32>}, {pipeline_mode = #tpu.pipeline_mode<synchronous>, transform_indices = @transform_5, window_bounds = array<i64: 1, 32>}, {pipeline_mode = #tpu.pipeline_mode<synchronous>, transform_indices = @transform_6, window_bounds = array<i64: 32, 128>}, {pipeline_mode = #tpu.pipeline_mode<synchronous>, transform_indices = @transform_7, window_bounds = array<i64: 1, 128>}, {transform_indices = @transform_8, window_bounds = array<i64: 4096, 128>}]} {
    %get3A = arith.constant 0 : index
    %get3A_0 = arith.constant 0 : index
    %get3A_1 = vector.load %arg2[%get3A, %get3A_0] : memref<4096x10xf32, #tpu.memory_space<vmem>>, vector<4096x10xf32>
    %get3A_2 = arith.constant 0 : index
    %get3A_3 = arith.constant 0 : index
    %get3A_4 = vector.load %arg3[%get3A_2, %get3A_3] : memref<10x64xf32, #tpu.memory_space<vmem>>, vector<10x64xf32>
    %dot_general3A = arith.constant dense<0.000000e+00> : vector<4096x64xf32>
    %dot_general3A_5 = tpu.matmul %get3A_1, %get3A_4, %dot_general3A {dimension_numbers = #tpu.dot_dimension_numbers<[1], [0], [0], [1], [0, 0, 1, 1], [], []>, transpose_lhs_hint = false} : vector<4096x10xf32>, vector<10x64xf32>, vector<4096x64xf32> -> vector<4096x64xf32>
    %get3A_6 = arith.constant 0 : index
    %get3A_7 = arith.constant 0 : index
    %get3A_8 = vector.load %arg4[%get3A_6, %get3A_7] : memref<1x64xf32, #tpu.memory_space<vmem>>, vector<1x64xf32>
    %add3A = vector.broadcast %get3A_8 : vector<1x64xf32> to vector<4096x64xf32>
    %add3A_9 = arith.addf %dot_general3A_5, %add3A : vector<4096x64xf32>
    %max3A = arith.constant 0.000000e+00 : f32
    %max3A_10 = vector.broadcast %max3A : f32 to vector<4096x64xf32>
    %max3A_11 = arith.maximumf %add3A_9, %max3A_10 : vector<4096x64xf32>
    %get3A_12 = arith.constant 0 : index
    %get3A_13 = arith.constant 0 : index
    %get3A_14 = vector.load %arg5[%get3A_12, %get3A_13] : memref<64x32xf32, #tpu.memory_space<vmem>>, vector<64x32xf32>
    %dot_general3A_15 = arith.constant dense<0.000000e+00> : vector<4096x32xf32>
    %dot_general3A_16 = tpu.matmul %max3A_11, %get3A_14, %dot_general3A_15 {dimension_numbers = #tpu.dot_dimension_numbers<[1], [0], [0], [1], [0, 0, 1, 1], [], []>, transpose_lhs_hint = false} : vector<4096x64xf32>, vector<64x32xf32>, vector<4096x32xf32> -> vector<4096x32xf32>
    %get3A_17 = arith.constant 0 : index
    %get3A_18 = arith.constant 0 : index
    %get3A_19 = vector.load %arg6[%get3A_17, %get3A_18] : memref<1x32xf32, #tpu.memory_space<vmem>>, vector<1x32xf32>
    %add3A_20 = vector.broadcast %get3A_19 : vector<1x32xf32> to vector<4096x32xf32>
    %add3A_21 = arith.addf %dot_general3A_16, %add3A_20 : vector<4096x32xf32>
    %max3A_22 = arith.constant 0.000000e+00 : f32
    %max3A_23 = vector.broadcast %max3A_22 : f32 to vector<4096x32xf32>
    %max3A_24 = arith.maximumf %add3A_21, %max3A_23 : vector<4096x32xf32>
    %get3A_25 = arith.constant 0 : index
    %get3A_26 = arith.constant 0 : index
    %get3A_27 = vector.load %arg7[%get3A_25, %get3A_26] : memref<32x128xf32, #tpu.memory_space<vmem>>, vector<32x128xf32>
    %dot_general3A_28 = arith.constant dense<0.000000e+00> : vector<4096x128xf32>
    %dot_general3A_29 = tpu.matmul %max3A_24, %get3A_27, %dot_general3A_28 {dimension_numbers = #tpu.dot_dimension_numbers<[1], [0], [0], [1], [0, 0, 1, 1], [], []>, transpose_lhs_hint = false} : vector<4096x32xf32>, vector<32x128xf32>, vector<4096x128xf32> -> vector<4096x128xf32>
    %get3A_30 = arith.constant 0 : index
    %get3A_31 = arith.constant 0 : index
    %get3A_32 = vector.load %arg8[%get3A_30, %get3A_31] : memref<1x128xf32, #tpu.memory_space<vmem>>, vector<1x128xf32>
    %add3A_33 = vector.broadcast %get3A_32 : vector<1x128xf32> to vector<4096x128xf32>
    %add3A_34 = arith.addf %dot_general3A_29, %add3A_33 : vector<4096x128xf32>
    %max3A_35 = arith.constant 0.000000e+00 : f32
    %max3A_36 = vector.broadcast %max3A_35 : f32 to vector<4096x128xf32>
    %max3A_37 = arith.maximumf %add3A_34, %max3A_36 : vector<4096x128xf32>
    %get3A_38 = arith.constant 0 : index
    %get3A_39 = arith.constant 0 : index
    %get3A_40 = vector.load %arg1[%get3A_38, %get3A_39] : memref<4096x128xf32, #tpu.memory_space<vmem>>, vector<4096x128xf32>
    %add3A_41 = arith.addf %get3A_40, %max3A_37 : vector<4096x128xf32>
    %mul3A = arith.mulf %add3A_41, %add3A_41 : vector<4096x128xf32>
    %reduce_sum3A = arith.constant dense<0.000000e+00> : vector<4096xf32>
    %reduce_sum3A_42 = vector.multi_reduction <add>, %mul3A, %reduce_sum3A [1] : vector<4096x128xf32> to vector<4096xf32>
    %broadcast_in_dim3A = vector.shape_cast %reduce_sum3A_42 : vector<4096xf32> to vector<4096x1xf32>
    %max3A_43 = arith.constant 9.99999996E-13 : f32
    %max3A_44 = vector.broadcast %max3A_43 : f32 to vector<4096x1xf32>
    %max3A_45 = arith.maximumf %broadcast_in_dim3A, %max3A_44 : vector<4096x1xf32>
    %rsqrt3A = math.rsqrt %max3A_45 : vector<4096x1xf32>
    %mul3A_46 = vector.broadcast %rsqrt3A : vector<4096x1xf32> to vector<4096x128xf32>
    %mul3A_47 = arith.mulf %add3A_41, %mul3A_46 : vector<4096x128xf32>
    %swap3A = arith.constant 0 : index
    %swap3A_48 = arith.constant 0 : index
    %swap3A_49 = vector.load %arg9[%swap3A, %swap3A_48] : memref<4096x128xf32, #tpu.memory_space<vmem>>, vector<4096x128xf32>
    tpu.vector_store %arg9[%swap3A, %swap3A_48], %mul3A_47 {strides = array<i32>} : memref<4096x128xf32, #tpu.memory_space<vmem>>, vector<4096x128xf32>,
    return
  }
  func.func @transform_0(%arg0: i32) -> (i32, i32) {
    %c0_i32 = arith.constant 0 : i32
    %c0_i32_0 = arith.constant 0 : i32
    return %arg0, %c0_i32 : i32, i32
  }
  func.func @transform_1(%arg0: i32) -> (i32, i32) {
    %c0_i32 = arith.constant 0 : i32
    %c0_i32_0 = arith.constant 0 : i32
    return %arg0, %c0_i32 : i32, i32
  }
  func.func @transform_2(%arg0: i32) -> (i32, i32) {
    %c0_i32 = arith.constant 0 : i32
    %c0_i32_0 = arith.constant 0 : i32
    %c0_i32_1 = arith.constant 0 : i32
    return %c0_i32, %c0_i32_0 : i32, i32
  }
  func.func @transform_3(%arg0: i32) -> (i32, i32) {
    %c0_i32 = arith.constant 0 : i32
    %c0_i32_0 = arith.constant 0 : i32
    %c0_i32_1 = arith.constant 0 : i32
    return %c0_i32, %c0_i32_0 : i32, i32
  }
  func.func @transform_4(%arg0: i32) -> (i32, i32) {
    %c0_i32 = arith.constant 0 : i32
    %c0_i32_0 = arith.constant 0 : i32
    %c0_i32_1 = arith.constant 0 : i32
    return %c0_i32, %c0_i32_0 : i32, i32
  }
  func.func @transform_5(%arg0: i32) -> (i32, i32) {
    %c0_i32 = arith.constant 0 : i32
    %c0_i32_0 = arith.constant 0 : i32
    %c0_i32_1 = arith.constant 0 : i32
    return %c0_i32, %c0_i32_0 : i32, i32
  }
  func.func @transform_6(%arg0: i32) -> (i32, i32) {
    %c0_i32 = arith.constant 0 : i32
    %c0_i32_0 = arith.constant 0 : i32
    %c0_i32_1 = arith.constant 0 : i32
    return %c0_i32, %c0_i32_0 : i32, i32
  }
  func.func @transform_7(%arg0: i32) -> (i32, i32) {
    %c0_i32 = arith.constant 0 : i32
    %c0_i32_0 = arith.constant 0 : i32
    %c0_i32_1 = arith.constant 0 : i32
    return %c0_i32, %c0_i32_0 : i32, i32
  }
  func.func @transform_8(%arg0: i32) -> (i32, i32) {
    %c0_i32 = arith.constant 0 : i32
    %c0_i32_0 = arith.constant 0 : i32
    return %arg0, %c0_i32 : i32, i32
  }
}

</mosaic_0001>

<sc_bundles>
// kernel: kernel.4.cloned.1.call-start
scs
__scs_entry_jumppad:
0x0: {  	(pc) =	sbr.rel $0x88, $3  }
0x1: {  	(tag) =	ssettag $0x0;
	lr =	simm.s32 $0x1  }
0x2: {  	[smem:$0x3F98] =	sst lr;
	_ =	strace $0xD0000000  }
0x3: {  	_ = 	snop  }
0x4: {  	_ = 	snop  }
0x5: {  	_ = 	snop  }
0x6: {  	_ = 	snop  }
0x7: {  	_ = 	snop  }
__scs_overlays_trampoline_lowered:
0x8: {  	[smem:$0x3FA7] =	sst s0  }
0x9: {  	[smem:$0x3FA8] =	sst s1  }
0xa: {  	[smem:$0x3FA9] =	sst s2  }
0xb: {  	[smem:$0x3FAA] =	sst s3  }
0xc: {  	[smem:$0x3FAB] =	sst s4  }
0xd: {  	[smem:$0x3FAC] =	sst s5  }
0xe: {  	[smem:$0x3FAD] =	sst s6  }
0xf: {  	[smem:$0x3FAE] =	sst s7  }
0x10: {  	[smem:$0x3FAF] =	sst s8  }
0x11: {  	[smem:$0x3FB0] =	sst s9;
	s0 =	simm.s32 @!p0 $0x0  }
0x12: {  	s1 =	sld [smem:$0x3F96];
	s0 =	simm.s32 @p0 $0x1  }
0x13: {  	[smem:$0x3FB1] =	sst s0;
	s0 =	simm.s32 @!p1 $0x0  }
0x14: {  	s2 =	sld [smem:$0x3F95];
	s0 =	simm.s32 @p1 $0x1  }
0x15: {  	[smem:$0x3FB2] =	sst s0;
	s0 =	simm.s32 @!p2 $0x0  }
0x16: {  	s3 =	sld [smem:$0x3FDB];
	s0 =	simm.s32 @p2 $0x1  }
0x17: {  	s4 =	simm.s32 $0x1BF5;
	[smem:$0x3FB4] =	sst s0  }
0x18: {  	s0 =	sld [smem:$0x3F97];
	_ =	swait.ge [sflag:s4], $0x0  }
0x19: {  	s7 =	sld [smem:$0x3F98]  }
0x1a: {  	s8 =	sadd.s32 $0xFFFFE003, lr  }
0x1b: {  	s9 =	sadd.s32 $0xFFFFFEF7, lr;
	s5 =	simm.s32 $0xFFFFFFFF;
	p2 =	slt.u32 s8, $0xFFFFF086  }
0x1c: {  	p1 =	slt.u32 s9, $0xF7A;
	s5 =	simm.s32 @!p2 $0x0  }
0x1d: {  	s5 =	simm.s32 @p1 $0x1;
	p0 =	seq.s32 s7, s2  }
0x1e: {  	s7 =	smul.u32 @!p0 $0xF7A, s2;
	p2 =	seq.s32 @!p0 s5, $0x0  }
0x1f: {  	s9 =	smul.u32 $0xF7A, s1;
	s8 =	simm.s32 @!p0 $0x1BF5;
	p2 =	por !p2, p0  }
0x20: {  	[sflag:s8] =	ssyncset.s32 @!p0 $0xFFFFF086;
	s6 =	sadd.s32 @!p0 s3, s7;
	s7 =	simm.s32 @!p0 $0x108  }
0x21: {  	s3 =	sadd.s32 s3, s9;
	s6 =	sadd.s32 @!p0 $0x88, s6;
	s7 =	simm.s32 @p2 $0x1082  }
0x22: {  	[simem:s7], [sflag:s8] =	dma.local @!p0 [hbm:s6], $0xF7A  }
0x23: {  	s9 =	sor.u32 $0xD0000000, s2;
	s6 =	simm.s32 $0x108;
	_ =	swait.ge @!p0 [sflag:s8], $0x0  }
0x24: {  	s3 =	sadd.s32 $0x88, s3;
	s6 =	simm.s32 @!p1 $0x1082;
	[sflag:s4] =	ssyncset.s32 $0xFFFFF086  }
0x25: {  	[simem:s6], [sflag:s4] =	dma.local [hbm:s3], $0xF7A  }
0x26: {  	[smem:$0x3F98] =	sst s1;
	(tag) =	ssettag s2;
	_ =	strace s9  }
0x27: {  	s1 =	sld [smem:$0x3FA8]  }
0x28: {  	s2 =	sld [smem:$0x3FA9]  }
0x29: {  	s4 =	sld [smem:$0x3FAB]  }
0x2a: {  	p0 =	seq.s32 s5, $0x0;
	s5 =	sld [smem:$0x3FAC]  }
0x2b: {  	s6 =	sld [smem:$0x3FAD]  }
0x2c: {  	s7 =	sld [smem:$0x3FAE]  }
0x2d: {  	s3 =	simm.s32 $0x108;
	s8 =	sld [smem:$0x3FAF]  }
0x2e: {  	s3 =	simm.s32 @!p0 $0x1082;
	s9 =	sld [smem:$0x3FB0]  }
0x2f: {  	lr =	sadd.s32 s0, s3;
	s0 =	sld [smem:$0x3FA7]  }
0x30: {  	s3 =	sld [smem:$0x3FAA]  }
0x31: {  	[smem:$0x3FB3] =	sst s10  }
0x32: {  	s10 =	sld [smem:$0x3FB1];
	_ =	sdelay $0x3  }
0x33: {  	p0 =	seq.s32 s10, $0x1;
	s10 =	sld [smem:$0x3FB3];
	_ =	sdelay $0x3  }
0x34: {  	[smem:$0x3FB3] =	sst s10  }
0x35: {  	s10 =	sld [smem:$0x3FB2];
	_ =	sdelay $0x3  }
0x36: {  	p1 =	seq.s32 s10, $0x1;
	s10 =	sld [smem:$0x3FB3];
	_ =	sdelay $0x3  }
0x37: {  	[smem:$0x3FB3] =	sst s10  }
0x38: {  	s10 =	sld [smem:$0x3FB4]  }
0x39: {  	_ = 	snop;
	(pc) =	sbr.ind lr, $3  }
0x3a: {  	_ = 	snop  }
0x3b: {  	_ = 	snop  }
0x3c: {  	p2 =	seq.s32 s10, $0x1;
	s10 =	sld [smem:$0x3FB3]  }
0x3d: {  	_ =	shalt  }
0x3e: {  	_ =	shalt  }
0x3f: {  	_ =	shalt  }
0x40: {  	_ =	shalt  }
0x41: {  	_ =	shalt  }
0x42: {  	_ =	shalt  }
0x43: {  	_ =	shalt  }
0x44: {  	_ =	shalt  }
0x45: {  	_ =	shalt  }
0x46: {  	_ =	shalt  }
0x47: {  	_ =	shalt  }
0x48: {  	_ =	shalt  }
0x49: {  	_ =	shalt  }
0x4a: {  	_ =	shalt  }
0x4b: {  	_ =	shalt  }
0x4c: {  	_ =	shalt  }
0x4d: {  	_ =	shalt  }
0x4e: {  	_ =	shalt  }
0x4f: {  	_ =	shalt  }
0x50: {  	_ =	shalt  }
0x51: {  	_ =	shalt  }
0x52: {  	_ =	shalt  }
0x53: {  	_ =	shalt  }
0x54: {  	_ =	shalt  }
0x55: {  	_ =	shalt  }
0x56: {  	_ =	shalt  }
0x57: {  	_ =	shalt  }
0x58: {  	_ =	shalt  }
0x59: {  	_ =	shalt  }
0x5a: {  	_ =	shalt  }
0x5b: {  	_ =	shalt  }
0x5c: {  	_ =	shalt  }
0x5d: {  	_ =	shalt  }
0x5e: {  	_ =	shalt  }
0x5f: {  	_ =	shalt  }
0x60: {  	_ =	shalt  }
0x61: {  	_ =	shalt  }
0x62: {  	_ =	shalt  }
0x63: {  	_ =	shalt  }
0x64: {  	_ =	shalt  }
0x65: {  	_ =	shalt  }
0x66: {  	_ =	shalt  }
0x67: {  	_ =	shalt  }
0x68: {  	_ =	shalt  }
0x69: {  	_ =	shalt  }
0x6a: {  	_ =	shalt  }
0x6b: {  	_ =	shalt  }
0x6c: {  	_ =	shalt  }
0x6d: {  	_ =	shalt  }
0x6e: {  	_ =	shalt  }
0x6f: {  	_ =	shalt  }
0x70: {  	_ =	shalt  }
0x71: {  	_ =	shalt  }
0x72: {  	_ =	shalt  }
0x73: {  	_ =	shalt  }
0x74: {  	_ =	shalt  }
0x75: {  	_ =	shalt  }
0x76: {  	_ =	shalt  }
0x77: {  	_ =	shalt  }
0x78: {  	_ =	shalt  }
0x79: {  	_ =	shalt  }
0x7a: {  	_ =	shalt  }
0x7b: {  	_ =	shalt  }
0x7c: {  	_ =	shalt  }
0x7d: {  	_ =	shalt  }
0x7e: {  	_ =	shalt  }
0x7f: {  	_ =	shalt  }
0x80: {  	_ =	shalt  }
0x81: {  	_ =	shalt  }
0x82: {  	_ =	shalt  }
0x83: {  	_ =	shalt  }
0x84: {  	_ =	shalt  }
0x85: {  	_ =	shalt  }
0x86: {  	_ =	shalt  }
0x87: {  	_ =	shalt  }
.Lfunc_end0:
.L_simem_size_0:
called_computation_lowered:
.L_overlay_start_0:
0x88: {  	s2 =	sld [smem:$0x3FD9]  }
0x89: {  	s3 =	sld [smem:$0x3FFE];
	_ =	sdelay $0x1  }
0x8a: {  	s1 =	srdreg.scid  }
0x8b: {  	s0 =	sand.u32 $0x1, s1  }
0x8c: {  	s18 =	sshll.u32 s0, $0xA;
	s2 =	sadd.s32 s3, s2  }
0x8d: {  	s2 =	sadd.s32 s2, s18  }
0x8e: {  	[smem:$0x3FBF] =	sst s2  }
0x8f: {  	_ = 	snop  }
0x90: {  	s2 =	sld [smem:$0x3FC9]  }
0x91: {  	s19 =	sld [smem:$0x3FC7]  }
0x92: {  	s4 =	sld [smem:$0x3FD0];
	(tm) =	ssettm $0x1  }
0x93: {  	s5 =	sld [smem:$0x3FFB];
	_ =	sdelay $0x3  }
0x94: {  	_ =	strace s5  }
0x95: {  	s5 =	sld [smem:$0x3FFC];
	_ =	sdelay $0x3  }
0x96: {  	_ =	strace s5  }
0x97: {  	s5 =	sld [smem:$0x3FFD];
	_ =	sdelay $0x3  }
0x98: {  	_ =	strace s5  }
0x99: {  	_ =	strace $0x8FFFFFFF  }
0x9a: {  	s20 =	sld [smem:$0x3FDB];
	_ =	sdelay $0x1  }
0x9b: {  	s6 =	simm.s32 $_scs_section_size  }
0x9c: {  	s7 =	simm.s32 $_size__tile_overlayer_lowered;
	s8 =	simm.s32 $_tile_overlayer_lowered  }
0x9d: {  	s23 =	simm.s32 $0x1BFF;
	s22 =	sshll.u32 s8, $0x1;
	s5 =	sadd.s32 s6, s20  }
0x9e: {  	s9 =	simm.s32 $0x0;
	s21 =	sshll.u32 s7, $0x1;
	s7 =	sadd.s32 s22, s5  }
0x9f: {  	[timem:s9], [sflag:s23] =	dma.local [hbm:s7], s21  }
0xa0: {  	_ =	swait.ge [sflag:s23], s21  }
0xa1: {  	s6 =	ssub.s32 $0x0, s21;
	[sflag:s23] =	ssyncset.done $0x0  }
0xa2: {  	[sflag:s23] =	ssyncadd.s32 s6;
	_ =	sdelay $0x1  }
0xa3: {  	s24 =	simm.s32 $0x1B8B  }
0xa4: {  	_ =	swait.ge [sflag:s24], $0x1  }
0xa5: {  	[sflag:s24] =	ssyncset.done $0x0  }
0xa6: {  	s25 =	simm.s32 $0x1B8E;
	[sflag:s24] =	ssyncadd.s32 $0xFFFFFFFF  }
0xa7: {  	s26 =	simm.s32 $execute0_lowered;
	[smem:$0x3FD2] =	sst s25  }
0xa8: {  	s6 =	sshll.u32 s26, $0x1;
	_ =	strace $0x80000046;
	[dreg:$0x1] =	wrdreg $0xFFFFFFFF  }
0xa9: {  	s28 =	simm.s32 $_size_execute0_lowered;
	s5 =	sadd.s32 s5, s6;
	[dreg:$0x0] =	wrdreg $0x0  }
0xaa: {  	s6 =	sshll.u32 s28, $0x1;
	[dreg:$0x2] =	wrdreg s5  }
0xab: {  	[dreg:$0x3] =	wrdreg s6  }
0xac: {  	[dreg:$0x4] =	wrdreg $0xC0  }
0xad: {  	_ =	task [dreg:s9], $0x5FFFF  }
0xae: {  	[dreg:$0x1] =	wrdreg $0xFFFFFFFF  }
0xaf: {  	[dreg:$0x0] =	wrdreg $0x60  }
0xb0: {  	[dreg:$0x2] =	wrdreg s2  }
0xb1: {  	[dreg:$0x3] =	wrdreg s19  }
0xb2: {  	[dreg:$0x4] =	wrdreg s4  }
0xb3: {  	[dreg:$0x5] =	wrdreg $0x9  }
0xb4: {  	_ =	task.clear_ibuf [dreg:s9], $0x6FFFF;
	_ =	strace $0x90000046  }
0xb5: {  	s29 =	simm.s32 $0x9;
	_ =	strace $0x80000048  }
0xb6: {  	_ =	swait.ge [sflag:s29], $0x1  }
0xb7: {  	[sflag:s29] =	ssyncadd.s32 $0xFFFFFFFF  }
0xb8: {  	_ =	strace $0x90000048  }
0xb9: {  	_ =	sfence  }
0xba: {  	s30 =	sld [smem:$0x0];
	_ =	sdelay $0x2  }
0xbb: {  	s31 =	sshll.u32 s1, $0xD;
	s1 =	sshrl.u32 s1, $0x2  }
0xbc: {  	s3 =	sand.u32 $0x4000, s31;
	s1 =	sadd.s32 s1, s30  }
0xbd: {  	s0 =	sor.u32 s3, s0;
	s1 =	sshll.u32 s1, $0x11  }
0xbe: {  	s0 =	sor.u32 s1, s0  }
0xbf: {  	s0 =	sadd.s32 $0x8F2B, s0  }
0xc0: {  	[sflag:s0] =	ssyncadd.remote.s32 $0x1  }
0xc1: {  	_ =	sfence.sel $0xFFFF  }
0xc2: {  	[dreg:$0x0] =	wrdreg $0xFFFFFFFF;
	(pc) =	sbr.abs _section_cstart, $3  }
0xc3: {  	[dreg:$0x1] =	wrdreg $0xFFFFFFFF  }
0xc4: {  	_ =	task.clear_ibuf [dreg:s9], $0x2FFFF;
	_ =	strace $0x9FFFFFFF  }
0xc5: {  	(tm) =	ssettm $0x7FFFFFFF  }
tec
execute0_lowered:
.L_overlay_start_1:
0x0: {  	(tag) =	ssettag $0x1  }
0x1: {  	s4 =	rddreg [dreg:$0x0];
	s1 =	srdreg.scid  }
0x2: {  	s3 =	rddreg [dreg:$0x1];
	s0 =	stileid.u32;
	s13 =	sand.u32 $0x1, s1  }
0x3: {  	s12 =	rddreg [dreg:$0x2];
	s5 =	sshll.u32 s0, $0xA;
	s6 =	sshll.u32 s13, $0x9  }
0x4: {  	s2 =	simm.s32 $0x0;
	s1 =	rddreg [dreg:$0x3];
	s14 =	sor.u32 s6, s5  }
0x5: {  	[smem:$0x7FF] =	sst s2;
	s5 =	sshrl.u32 s14, $0x3  }
0x6: {  	_ =	strace $0x80000047;
	s4 =	sadd.s32 s4, s5;
	s5 =	simm.s32 $0x3  }
0x7: {  	[tilespmem:s2], [sflag:$0x3] =	stream.linear.gather [hbm4b:s4+s2], $0x200, $0x38;
	[tilespmem:$0x10400] =	vst v63  }
0x8: {  	_ =	swait.ge [sflag:s5], $0x200  }
0x9: {  	[sflag:s5] =	ssyncset.done $0x0  }
0xa: {  	[sflag:s5] =	ssyncadd.s32 $0xFFFFFE00  }
0xb: {  	v0 =	vld [tilespmem:$0x20]  }
0xc: {  	v1 =	vld [tilespmem:$0x60]  }
0xd: {  	v2 =	vld [tilespmem:$0x40]  }
0xe: {  	v3 =	vld [tilespmem:$0x0]  }
0xf: {  	v4 =	vld [tilespmem:$0x50]  }
0x10: {  	v5 =	vld [tilespmem:$0x10]  }
0x11: {  	v6 =	vld [tilespmem:$0x30]  }
0x12: {  	v8 =	vld [tilespmem:$0x70];
	v0 =	vmul.u32 $0x9E3779B1, v0  }
0x13: {  	v1 =	vmul.u32 $0x9E3779B1, v1  }
0x14: {  	v2 =	vmul.u32 $0x9E3779B1, v2;
	v7 =	vmulhi.u32 $0x10624DD3, v0  }
0x15: {  	v3 =	vmul.u32 $0x9E3779B1, v3;
	v4 =	vmul.u32 $0x9E3779B1, v4;
	v9 =	vmulhi.u32 $0x10624DD3, v1  }
0x16: {  	v6 =	vmul.u32 $0x9E3779B1, v6;
	v5 =	vmul.u32 $0x9E3779B1, v5;
	v10 =	vmulhi.u32 $0x10624DD3, v2  }
0x17: {  	v8 =	vmul.u32 $0x9E3779B1, v8;
	v11 =	vmulhi.u32 $0x10624DD3, v3;
	v7 =	vshrl.u32 v7, $0x6  }
0x18: {  	v12 =	vmulhi.u32 $0x10624DD3, v4;
	v9 =	vshrl.u32 v9, $0x6;
	v7 =	vmul.u32 $0x3E8, v7  }
0x19: {  	v10 =	vshrl.u32 v10, $0x6;
	v11 =	vshrl.u32 v11, $0x6;
	v9 =	vmul.u32 $0x3E8, v9  }
0x1a: {  	v11 =	vmul.u32 $0x3E8, v11;
	v0 =	vsub.s32 v0, v7;
	v7 =	vmul.u32 $0x3E8, v10  }
0x1b: {  	v10 =	vshrl.u32 v12, $0x6;
	v1 =	vsub.s32 v1, v9;
	v9 =	vmulhi.u32 $0x10624DD3, v8  }
0x1c: {  	v59 =	vmulhi.u32 $0x10624DD3, v5;
	v3 =	vsub.s32 v3, v11;
	v10 =	vmul.u32 $0x3E8, v10;
	[tilespmem:$0x260] =	vst v1  }
0x1d: {  	[tilespmem:$0x220] =	vst v0;
	v0 =	vmulhi.u32 $0x10624DD3, v6;
	v1 =	vsub.s32 v2, v7;
	v2 =	vshrl.u32 v9, $0x6  }
0x1e: {  	[tilespmem:$0x200] =	vst v3;
	v7 =	vshrl.u32 v59, $0x6;
	v2 =	vmul.u32 $0x3E8, v2  }
0x1f: {  	[tilespmem:$0x240] =	vst v1;
	v1 =	vsub.s32 v4, v10;
	v4 =	vmul.u32 $0x3E8, v7;
	v0 =	vshrl.u32 v0, $0x6  }
0x20: {  	[tilespmem:$0x250] =	vst v1;
	v0 =	vmul.u32 $0x3E8, v0;
	v1 =	vsub.s32 v8, v2  }
0x21: {  	v2 =	vsub.s32 v5, v4;
	[tilespmem:$0x270] =	vst v1  }
0x22: {  	[tilespmem:$0x210] =	vst v2;
	v0 =	vsub.s32 v6, v0  }
0x23: {  	s7 =	simm.s32 $0x80;
	s8 =	simm.s32 $0x200;
	s6 =	simm.s32 $0x400;
	[tilespmem:$0x230] =	vst v0  }
0x24: {  	[tilespmem:s6], [sflag:$0x1] =	stream.indirect.gather [hbm4b:s3+s7], $0x80, s8, s7, $0xb8;
	[tilespmem:$0x10400] =	vst v63  }
0x25: {  	v0 =	vld [tilespmem:$0x80]  }
0x26: {  	v1 =	vld [tilespmem:$0xB0]  }
0x27: {  	v2 =	vld [tilespmem:$0xC0]  }
0x28: {  	v3 =	vld [tilespmem:$0xD0]  }
0x29: {  	v4 =	vld [tilespmem:$0xA0]  }
0x2a: {  	v5 =	vld [tilespmem:$0xE0]  }
0x2b: {  	v6 =	vld [tilespmem:$0x90];
	v0 =	vmul.u32 $0x9E3779B1, v0  }
0x2c: {  	v7 =	vld [tilespmem:$0xF0];
	v1 =	vmul.u32 $0x9E3779B1, v1  }
0x2d: {  	v2 =	vmul.u32 $0x9E3779B1, v2;
	v8 =	vmulhi.u32 $0x10624DD3, v0  }
0x2e: {  	v3 =	vmul.u32 $0x9E3779B1, v3;
	v9 =	vmulhi.u32 $0x10624DD3, v1  }
0x2f: {  	v4 =	vmul.u32 $0x9E3779B1, v4;
	v10 =	vmulhi.u32 $0x10624DD3, v2;
	v8 =	vshrl.u32 v8, $0x6  }
0x30: {  	v6 =	vmul.u32 $0x9E3779B1, v6;
	v11 =	vmulhi.u32 $0x10624DD3, v3;
	v8 =	vmul.u32 $0x3E8, v8  }
0x31: {  	v5 =	vmul.u32 $0x9E3779B1, v5;
	v7 =	vmul.u32 $0x9E3779B1, v7;
	v60 =	vmulhi.u32 $0x10624DD3, v4  }
0x32: {  	v61 =	vmulhi.u32 $0x10624DD3, v6;
	v10 =	vshrl.u32 v10, $0x6;
	v0 =	vsub.s32 v0, v8  }
0x33: {  	v8 =	vmul.u32 $0x3E8, v10;
	v10 =	vshrl.u32 v11, $0x6;
	v11 =	vshrl.u32 v60, $0x6  }
0x34: {  	v13 =	vmulhi.u32 $0x10624DD3, v7;
	v10 =	vmul.u32 $0x3E8, v10;
	v11 =	vmul.u32 $0x3E8, v11  }
0x35: {  	[tilespmem:$0x280] =	vst v0;
	v0 =	vsub.s32 v2, v8;
	v2 =	vshrl.u32 v61, $0x6;
	v8 =	vmulhi.u32 $0x10624DD3, v5  }
0x36: {  	[tilespmem:$0x2C0] =	vst v0;
	v0 =	vsub.s32 v3, v10;
	v3 =	vshrl.u32 v13, $0x6;
	v2 =	vmul.u32 $0x3E8, v2  }
0x37: {  	v4 =	vsub.s32 v4, v11;
	[tilespmem:$0x2D0] =	vst v0;
	v0 =	vmul.u32 $0x3E8, v3;
	v3 =	vshrl.u32 v8, $0x6  }
0x38: {  	v8 =	vshrl.u32 v9, $0x6;
	[tilespmem:$0x2A0] =	vst v4;
	v2 =	vsub.s32 v6, v2;
	v3 =	vmul.u32 $0x3E8, v3  }
0x39: {  	v4 =	vmul.u32 $0x3E8, v8;
	[tilespmem:$0x290] =	vst v2;
	v0 =	vsub.s32 v7, v0  }
0x3a: {  	v2 =	vsub.s32 v5, v3;
	[tilespmem:$0x2F0] =	vst v0  }
0x3b: {  	v0 =	vsub.s32 v1, v4;
	[tilespmem:$0x2E0] =	vst v2  }
0x3c: {  	s10 =	simm.s32 $0x280;
	s9 =	simm.s32 $0x4400;
	[tilespmem:$0x2B0] =	vst v0  }
0x3d: {  	[tilespmem:s9], [sflag:$0x1] =	stream.indirect.gather [hbm4b:s3+s7], $0x80, s10, s7, $0xb8;
	[tilespmem:$0x10400] =	vst v63  }
0x3e: {  	v0 =	vld [tilespmem:$0x110]  }
0x3f: {  	v1 =	vld [tilespmem:$0x120]  }
0x40: {  	v2 =	vld [tilespmem:$0x170]  }
0x41: {  	v3 =	vld [tilespmem:$0x140]  }
0x42: {  	v4 =	vld [tilespmem:$0x150]  }
0x43: {  	v6 =	vld [tilespmem:$0x160];
	v0 =	vmul.u32 $0x9E3779B1, v0  }
0x44: {  	v5 =	vld [tilespmem:$0x100];
	v1 =	vmul.u32 $0x9E3779B1, v1  }
0x45: {  	v8 =	vld [tilespmem:$0x130];
	v2 =	vmul.u32 $0x9E3779B1, v2;
	v7 =	vmulhi.u32 $0x10624DD3, v0  }
0x46: {  	v3 =	vmul.u32 $0x9E3779B1, v3;
	v9 =	vmulhi.u32 $0x10624DD3, v1  }
0x47: {  	v4 =	vmul.u32 $0x9E3779B1, v4;
	v10 =	vmulhi.u32 $0x10624DD3, v2  }
0x48: {  	v6 =	vmul.u32 $0x9E3779B1, v6;
	v11 =	vmulhi.u32 $0x10624DD3, v3  }
0x49: {  	v5 =	vmul.u32 $0x9E3779B1, v5;
	v62 =	vmulhi.u32 $0x10624DD3, v4  }
0x4a: {  	v8 =	vmul.u32 $0x9E3779B1, v8;
	v63 =	vmulhi.u32 $0x10624DD3, v6;
	v10 =	vshrl.u32 v10, $0x6  }
0x4b: {  	v7 =	vshrl.u32 v7, $0x6;
	v11 =	vshrl.u32 v11, $0x6;
	v10 =	vmul.u32 $0x3E8, v10  }
0x4c: {  	v12 =	vshrl.u32 v62, $0x6;
	v7 =	vmul.u32 $0x3E8, v7;
	v11 =	vmul.u32 $0x3E8, v11  }
0x4d: {  	v12 =	vmul.u32 $0x3E8, v12;
	v2 =	vsub.s32 v2, v10;
	v10 =	vmulhi.u32 $0x10624DD3, v8  }
0x4e: {  	v3 =	vsub.s32 v3, v11;
	v11 =	vshrl.u32 v63, $0x6;
	[tilespmem:$0x370] =	vst v2;
	v2 =	vmulhi.u32 $0x10624DD3, v5  }
0x4f: {  	[tilespmem:$0x340] =	vst v3;
	v3 =	vsub.s32 v4, v12;
	v4 =	vshrl.u32 v10, $0x6;
	v10 =	vmul.u32 $0x3E8, v11  }
0x50: {  	v0 =	vsub.s32 v0, v7;
	[tilespmem:$0x350] =	vst v3;
	v2 =	vshrl.u32 v2, $0x6;
	v3 =	vmul.u32 $0x3E8, v4  }
0x51: {  	[tilespmem:$0x310] =	vst v0;
	v4 =	vshrl.u32 v9, $0x6;
	v0 =	vmul.u32 $0x3E8, v2;
	v2 =	vsub.s32 v6, v10  }
0x52: {  	v4 =	vmul.u32 $0x3E8, v4;
	v3 =	vsub.s32 v8, v3;
	[tilespmem:$0x360] =	vst v2  }
0x53: {  	v0 =	vsub.s32 v5, v0;
	[tilespmem:$0x330] =	vst v3  }
0x54: {  	s13 =	ssub.s32 $0x2, s13;
	v1 =	vsub.s32 v1, v4;
	[tilespmem:$0x300] =	vst v0  }
0x55: {  	s20 =	simm.s32 $0x300;
	s11 =	simm.s32 $0x8400;
	s15 =	sshrl.u32 s13, $0x1;
	[tilespmem:$0x320] =	vst v1  }
0x56: {  	[tilespmem:s11], [sflag:$0x1] =	stream.indirect.gather [hbm4b:s3+s7], $0x80, s20, s7, $0xb8;
	[tilespmem:$0x10400] =	vst v63  }
0x57: {  	s31 =	ssub.s32 s13, s15;
	v0 =	vld [tilespmem:$0x1F0]  }
0x58: {  	s21 =	smax.u32 s31, $0x1;
	v1 =	vld [tilespmem:$0x190]  }
0x59: {  	p0 =	sne.s32 s21, $0x1;
	v2 =	vld [tilespmem:$0x1A0]  }
.Ltmp0:
0x5a: {  	v3 =	vld [tilespmem:$0x1B0];
	(pc) =	sbr.rel @!p0 .LBB2_2-.Ltmp0, $4  }
0x5b: {  	s14 =	sshll.u32 s14, $0x4;
	v6 =	vld [tilespmem:$0x1C0]  }
0x5c: {  	s19 =	simm.s32 $0x380;
	s16 =	simm.s32 $0xC400;
	s17 =	sadd.s32 s12, s14;
	v5 =	vld [tilespmem:$0x1D0];
	v0 =	vmul.u32 $0x9E3779B1, v0  }
0x5d: {  	s18 =	simm.s32 $0x1;
	s15 =	sadd.s32 $0x800, s17;
	s14 =	sadd.s32 $0x1000, s17;
	v7 =	vld [tilespmem:$0x180]  }
0x5e: {  	s12 =	simm.s32 $0x2;
	s13 =	sadd.s32 $0x1800, s17;
	s21 =	sadd.s32 $0xFFFFFFFF, s21;
	v1 =	vmul.u32 $0x9E3779B1, v1;
	v4 =	vmul.u32 $0x9E3779B1, v2;
	v2 =	vld [tilespmem:$0x1E0];
	v8 =	vmulhi.u32 $0x10624DD3, v0  }
.LBB2_1:
0x5f: {  	p0 =	sne.s32 s21, $0x1;
	s21 =	sadd.s32 $0xFFFFFFFF, s21  }
0x60: {  	v9 =	vmulhi.u32 $0x10624DD3, v4;
	v6 =	vmul.u32 $0x9E3779B1, v6;
	v8 =	vshrl.u32 v8, $0x6  }
0x61: {  	v10 =	vmulhi.u32 $0x10624DD3, v1;
	v3 =	vmul.u32 $0x9E3779B1, v3;
	v5 =	vmul.u32 $0x9E3779B1, v5  }
0x62: {  	v7 =	vmul.u32 $0x9E3779B1, v7;
	v9 =	vshrl.u32 v9, $0x6;
	v11 =	vmulhi.u32 $0x10624DD3, v6  }
0x63: {  	v10 =	vshrl.u32 v10, $0x6;
	v9 =	vmul.u32 $0x3E8, v9;
	v12 =	vmulhi.u32 $0x10624DD3, v5  }
0x64: {  	v13 =	vmulhi.u32 $0x10624DD3, v3;
	v10 =	vmul.u32 $0x3E8, v10;
	v11 =	vshrl.u32 v11, $0x6  }
0x65: {  	v4 =	vsub.s32 v4, v9;
	v9 =	vmul.u32 $0x3E8, v11;
	v11 =	vshrl.u32 v12, $0x6  }
0x66: {  	v2 =	vmul.u32 $0x9E3779B1, v2;
	[tilespmem:$0x3A0] =	vst v4;
	v4 =	vshrl.u32 v13, $0x6;
	v11 =	vmul.u32 $0x3E8, v11  }
0x67: {  	v12 =	vmulhi.u32 $0x10624DD3, v7;
	v4 =	vmul.u32 $0x3E8, v4;
	v6 =	vsub.s32 v6, v9  }
0x68: {  	v1 =	vsub.s32 v1, v10;
	[tilespmem:$0x3C0] =	vst v6;
	v5 =	vsub.s32 v5, v11;
	v6 =	vmulhi.u32 $0x10624DD3, v2  }
0x69: {  	v9 =	vshrl.u32 v12, $0x6;
	v3 =	vsub.s32 v3, v4;
	[tilespmem:$0x3D0] =	vst v5;
	v4 =	vmul.u32 $0x3E8, v8  }
0x6a: {  	v5 =	vmul.u32 $0x3E8, v9;
	[tilespmem:$0x3B0] =	vst v3;
	v3 =	vshrl.u32 v6, $0x6  }
0x6b: {  	[tilespmem:$0x390] =	vst v1;
	v1 =	vmul.u32 $0x3E8, v3;
	v0 =	vsub.s32 v0, v4  }
0x6c: {  	v3 =	vsub.s32 v7, v5;
	[tilespmem:$0x3F0] =	vst v0  }
0x6d: {  	[tilespmem:$0x380] =	vst v3;
	v0 =	vsub.s32 v2, v1  }
0x6e: {  	[tilespmem:$0x3E0] =	vst v0  }
0x6f: {  	[tilespmem:s16], [sflag:$0x1] =	stream.indirect.gather [hbm4b:s3+s7], $0x80, s19, s7, $0xb8;
	[tilespmem:$0x10400] =	vst v63  }
0x70: {  	_ =	swait.ge [sflag:s18], $0x4000  }
0x71: {  	[sflag:s18] =	ssyncset.done $0x0  }
0x72: {  	[sflag:s18] =	ssyncadd.s32 $0xFFFFC000  }
0x73: {  	[hbm4b:s17+s2] =	stream.linear.scatter [tilespmem:s6], [sflag:$0x2], $0x4000, $0x38;
	[tilespmem:$0x10400] =	vst v63  }
0x74: {  	_ =	swait.ge [sflag:s18], $0x4000  }
0x75: {  	[sflag:s18] =	ssyncset.done $0x0  }
0x76: {  	[sflag:s18] =	ssyncadd.s32 $0xFFFFC000  }
0x77: {  	[hbm4b:s15+s2] =	stream.linear.scatter [tilespmem:s9], [sflag:$0x2], $0x4000, $0x38;
	[tilespmem:$0x10400] =	vst v63  }
0x78: {  	_ =	swait.ge [sflag:s18], $0x4000  }
0x79: {  	[sflag:s18] =	ssyncset.done $0x0  }
0x7a: {  	[sflag:s18] =	ssyncadd.s32 $0xFFFFC000  }
0x7b: {  	[hbm4b:s14+s2] =	stream.linear.scatter [tilespmem:s11], [sflag:$0x2], $0x4000, $0x38;
	[tilespmem:$0x10400] =	vst v63  }
0x7c: {  	_ =	swait.ge [sflag:s18], $0x4000  }
0x7d: {  	[sflag:s18] =	ssyncset.done $0x0  }
0x7e: {  	[sflag:s18] =	ssyncadd.s32 $0xFFFFC000  }
0x7f: {  	[hbm4b:s13+s2] =	stream.linear.scatter [tilespmem:s16], [sflag:$0x2], $0x4000, $0x38;
	[tilespmem:$0x10400] =	vst v63  }
0x80: {  	_ =	swait.ge [sflag:s12], $0x4000  }
0x81: {  	[sflag:s12] =	ssyncset.done $0x0  }
0x82: {  	[sflag:s12] =	ssyncadd.s32 $0xFFFFC000  }
0x83: {  	_ =	swait.ge [sflag:s12], $0x4000  }
0x84: {  	[sflag:s12] =	ssyncset.done $0x0  }
0x85: {  	[sflag:s12] =	ssyncadd.s32 $0xFFFFC000  }
0x86: {  	_ =	swait.ge [sflag:s12], $0x4000  }
0x87: {  	[sflag:s12] =	ssyncset.done $0x0  }
0x88: {  	[sflag:s12] =	ssyncadd.s32 $0xFFFFC000  }
0x89: {  	_ =	swait.ge [sflag:s12], $0x4000  }
0x8a: {  	[sflag:s12] =	ssyncset.done $0x0  }
0x8b: {  	[sflag:s12] =	ssyncadd.s32 $0xFFFFC000  }
0x8c: {  	[tilespmem:s2], [sflag:$0x3] =	stream.linear.gather [hbm4b:s4+s2], $0x200, $0x38;
	[tilespmem:$0x10400] =	vst v63  }
0x8d: {  	_ =	swait.ge [sflag:s5], $0x200  }
0x8e: {  	[sflag:s5] =	ssyncset.done $0x0  }
0x8f: {  	[sflag:s5] =	ssyncadd.s32 $0xFFFFFE00  }
0x90: {  	v0 =	vld [tilespmem:$0x20]  }
0x91: {  	v1 =	vld [tilespmem:$0x60]  }
0x92: {  	v2 =	vld [tilespmem:$0x40]  }
0x93: {  	v3 =	vld [tilespmem:$0x0]  }
0x94: {  	v4 =	vld [tilespmem:$0x50]  }
0x95: {  	v5 =	vld [tilespmem:$0x10];
	v0 =	vmul.u32 $0x9E3779B1, v0  }
0x96: {  	v6 =	vld [tilespmem:$0x30];
	v1 =	vmul.u32 $0x9E3779B1, v1  }
0x97: {  	v7 =	vmulhi.u32 $0x10624DD3, v0;
	v2 =	vmul.u32 $0x9E3779B1, v2;
	v8 =	vld [tilespmem:$0x70]  }
0x98: {  	v3 =	vmul.u32 $0x9E3779B1, v3;
	v9 =	vmulhi.u32 $0x10624DD3, v1  }
0x99: {  	v7 =	vshrl.u32 v7, $0x6;
	v10 =	vmulhi.u32 $0x10624DD3, v2;
	v4 =	vmul.u32 $0x9E3779B1, v4  }
0x9a: {  	v11 =	vmulhi.u32 $0x10624DD3, v3;
	v7 =	vmul.u32 $0x3E8, v7;
	v9 =	vshrl.u32 v9, $0x6  }
0x9b: {  	v6 =	vmul.u32 $0x9E3779B1, v6;
	v10 =	vshrl.u32 v10, $0x6;
	v9 =	vmul.u32 $0x3E8, v9  }
0x9c: {  	v5 =	vmul.u32 $0x9E3779B1, v5;
	v12 =	vmulhi.u32 $0x10624DD3, v4;
	v8 =	vmul.u32 $0x9E3779B1, v8  }
0x9d: {  	v11 =	vshrl.u32 v11, $0x6;
	v0 =	vsub.s32 v0, v7;
	v7 =	vmul.u32 $0x3E8, v10  }
0x9e: {  	v10 =	vshrl.u32 v12, $0x6;
	v1 =	vsub.s32 v1, v9;
	v9 =	vmulhi.u32 $0x10624DD3, v8  }
0x9f: {  	v11 =	vmul.u32 $0x3E8, v11;
	v12 =	vmulhi.u32 $0x10624DD3, v5;
	v10 =	vmul.u32 $0x3E8, v10;
	[tilespmem:$0x260] =	vst v1  }
0xa0: {  	v1 =	vsub.s32 v2, v7;
	[tilespmem:$0x220] =	vst v0;
	v0 =	vmulhi.u32 $0x10624DD3, v6;
	v2 =	vshrl.u32 v9, $0x6  }
0xa1: {  	v7 =	vshrl.u32 v12, $0x6;
	[tilespmem:$0x240] =	vst v1;
	v1 =	vsub.s32 v4, v10;
	v2 =	vmul.u32 $0x3E8, v2  }
0xa2: {  	v3 =	vsub.s32 v3, v11;
	v4 =	vmul.u32 $0x3E8, v7;
	v0 =	vshrl.u32 v0, $0x6;
	[tilespmem:$0x250] =	vst v1  }
0xa3: {  	[tilespmem:$0x200] =	vst v3;
	v0 =	vmul.u32 $0x3E8, v0;
	v1 =	vsub.s32 v8, v2  }
0xa4: {  	v2 =	vsub.s32 v5, v4;
	[tilespmem:$0x270] =	vst v1  }
0xa5: {  	[tilespmem:$0x210] =	vst v2;
	v0 =	vsub.s32 v6, v0  }
0xa6: {  	[tilespmem:$0x230] =	vst v0  }
0xa7: {  	[tilespmem:s6], [sflag:$0x1] =	stream.indirect.gather [hbm4b:s3+s7], $0x80, s8, s7, $0xb8;
	[tilespmem:$0x10400] =	vst v63  }
0xa8: {  	v0 =	vld [tilespmem:$0xC0]  }
0xa9: {  	v1 =	vld [tilespmem:$0x80]  }
0xaa: {  	v2 =	vld [tilespmem:$0xB0]  }
0xab: {  	v3 =	vld [tilespmem:$0xE0]  }
0xac: {  	v4 =	vld [tilespmem:$0xD0]  }
0xad: {  	v5 =	vld [tilespmem:$0xA0]  }
0xae: {  	v1 =	vmul.u32 $0x9E3779B1, v1;
	v6 =	vld [tilespmem:$0x90]  }
0xaf: {  	v2 =	vmul.u32 $0x9E3779B1, v2;
	v7 =	vld [tilespmem:$0xF0]  }
0xb0: {  	v0 =	vmul.u32 $0x9E3779B1, v0;
	v8 =	vmulhi.u32 $0x10624DD3, v1;
	v3 =	vmul.u32 $0x9E3779B1, v3  }
0xb1: {  	v9 =	vmulhi.u32 $0x10624DD3, v2;
	v4 =	vmul.u32 $0x9E3779B1, v4  }
0xb2: {  	v10 =	vmulhi.u32 $0x10624DD3, v0;
	v8 =	vshrl.u32 v8, $0x6;
	v5 =	vmul.u32 $0x9E3779B1, v5  }
0xb3: {  	v8 =	vmul.u32 $0x3E8, v8;
	v6 =	vmul.u32 $0x9E3779B1, v6;
	v11 =	vmulhi.u32 $0x10624DD3, v4  }
0xb4: {  	v10 =	vshrl.u32 v10, $0x6;
	v12 =	vmulhi.u32 $0x10624DD3, v5;
	v7 =	vmul.u32 $0x9E3779B1, v7  }
0xb5: {  	v1 =	vsub.s32 v1, v8;
	v8 =	vmul.u32 $0x3E8, v10;
	v10 =	vshrl.u32 v11, $0x6  }
0xb6: {  	[tilespmem:$0x280] =	vst v1;
	v1 =	vshrl.u32 v12, $0x6;
	v10 =	vmul.u32 $0x3E8, v10;
	v11 =	vmulhi.u32 $0x10624DD3, v7  }
0xb7: {  	v12 =	vmulhi.u32 $0x10624DD3, v6;
	v1 =	vmul.u32 $0x3E8, v1;
	v0 =	vsub.s32 v0, v8  }
0xb8: {  	v8 =	vshrl.u32 v9, $0x6;
	[tilespmem:$0x2C0] =	vst v0;
	v0 =	vsub.s32 v4, v10;
	v4 =	vshrl.u32 v11, $0x6  }
0xb9: {  	v9 =	vshrl.u32 v12, $0x6;
	v1 =	vsub.s32 v5, v1;
	[tilespmem:$0x2D0] =	vst v0;
	v0 =	vmulhi.u32 $0x10624DD3, v3  }
0xba: {  	v5 =	vmul.u32 $0x3E8, v9;
	v4 =	vmul.u32 $0x3E8, v4;
	[tilespmem:$0x2A0] =	vst v1;
	v1 =	vmul.u32 $0x3E8, v8  }
0xbb: {  	v0 =	vshrl.u32 v0, $0x6  }
0xbc: {  	v5 =	vsub.s32 v6, v5;
	v1 =	vsub.s32 v2, v1;
	v0 =	vmul.u32 $0x3E8, v0  }
0xbd: {  	v2 =	vsub.s32 v7, v4;
	[tilespmem:$0x290] =	vst v5  }
0xbe: {  	v0 =	vsub.s32 v3, v0;
	[tilespmem:$0x2F0] =	vst v2  }
0xbf: {  	[tilespmem:$0x2E0] =	vst v0  }
0xc0: {  	[tilespmem:$0x2B0] =	vst v1  }
0xc1: {  	[tilespmem:s9], [sflag:$0x1] =	stream.indirect.gather [hbm4b:s3+s7], $0x80, s10, s7, $0xb8;
	[tilespmem:$0x10400] =	vst v63  }
0xc2: {  	v0 =	vld [tilespmem:$0x150]  }
0xc3: {  	v1 =	vld [tilespmem:$0x110]  }
0xc4: {  	v2 =	vld [tilespmem:$0x120]  }
0xc5: {  	v3 =	vld [tilespmem:$0x170]  }
0xc6: {  	v4 =	vld [tilespmem:$0x140]  }
0xc7: {  	v5 =	vld [tilespmem:$0x100]  }
0xc8: {  	v1 =	vmul.u32 $0x9E3779B1, v1;
	v6 =	vld [tilespmem:$0x130]  }
0xc9: {  	v2 =	vmul.u32 $0x9E3779B1, v2;
	v7 =	vld [tilespmem:$0x160]  }
0xca: {  	v8 =	vmulhi.u32 $0x10624DD3, v1;
	v3 =	vmul.u32 $0x9E3779B1, v3  }
0xcb: {  	v9 =	vmulhi.u32 $0x10624DD3, v2;
	v4 =	vmul.u32 $0x9E3779B1, v4  }
0xcc: {  	v0 =	vmul.u32 $0x9E3779B1, v0;
	v8 =	vshrl.u32 v8, $0x6;
	v10 =	vmulhi.u32 $0x10624DD3, v3  }
0xcd: {  	v5 =	vmul.u32 $0x9E3779B1, v5;
	v9 =	vshrl.u32 v9, $0x6;
	v11 =	vmulhi.u32 $0x10624DD3, v4  }
0xce: {  	v12 =	vmulhi.u32 $0x10624DD3, v0;
	v7 =	vmul.u32 $0x9E3779B1, v7;
	v10 =	vshrl.u32 v10, $0x6  }
0xcf: {  	v8 =	vmul.u32 $0x3E8, v8;
	v11 =	vshrl.u32 v11, $0x6;
	v10 =	vmul.u32 $0x3E8, v10  }
0xd0: {  	v12 =	vshrl.u32 v12, $0x6;
	v6 =	vmul.u32 $0x9E3779B1, v6;
	v11 =	vmul.u32 $0x3E8, v11  }
0xd1: {  	v12 =	vmul.u32 $0x3E8, v12;
	v13 =	vmulhi.u32 $0x10624DD3, v7;
	v3 =	vsub.s32 v3, v10  }
0xd2: {  	v1 =	vsub.s32 v1, v8;
	v8 =	vmulhi.u32 $0x10624DD3, v6;
	v4 =	vsub.s32 v4, v11;
	[tilespmem:$0x370] =	vst v3  }
0xd3: {  	v0 =	vsub.s32 v0, v12;
	v3 =	vmulhi.u32 $0x10624DD3, v5;
	[tilespmem:$0x340] =	vst v4;
	v4 =	vshrl.u32 v13, $0x6  }
0xd4: {  	v9 =	vmul.u32 $0x3E8, v9;
	v8 =	vshrl.u32 v8, $0x6;
	[tilespmem:$0x350] =	vst v0;
	v0 =	vmul.u32 $0x3E8, v4  }
0xd5: {  	v3 =	vshrl.u32 v3, $0x6;
	[tilespmem:$0x310] =	vst v1;
	v1 =	vmul.u32 $0x3E8, v8  }
0xd6: {  	v2 =	vsub.s32 v2, v9;
	v3 =	vmul.u32 $0x3E8, v3;
	v0 =	vsub.s32 v7, v0  }
0xd7: {  	v1 =	vsub.s32 v6, v1;
	[tilespmem:$0x360] =	vst v0  }
0xd8: {  	v0 =	vsub.s32 v5, v3;
	[tilespmem:$0x330] =	vst v1  }
0xd9: {  	[tilespmem:$0x300] =	vst v0  }
0xda: {  	[tilespmem:$0x320] =	vst v2  }
0xdb: {  	[tilespmem:s11], [sflag:$0x1] =	stream.indirect.gather [hbm4b:s3+s7], $0x80, s20, s7, $0xb8;
	[tilespmem:$0x10400] =	vst v63  }
0xdc: {  	v0 =	vld [tilespmem:$0x1F0]  }
0xdd: {  	v1 =	vld [tilespmem:$0x190]  }
0xde: {  	v2 =	vld [tilespmem:$0x1A0]  }
.Ltmp1:
0xdf: {  	v3 =	vld [tilespmem:$0x1B0];
	(pc) =	sbr.rel @p0 .LBB2_1-.Ltmp1, $4  }
0xe0: {  	v6 =	vld [tilespmem:$0x1C0]  }
0xe1: {  	v5 =	vld [tilespmem:$0x1D0];
	v0 =	vmul.u32 $0x9E3779B1, v0  }
0xe2: {  	v7 =	vld [tilespmem:$0x180];
	v1 =	vmul.u32 $0x9E3779B1, v1  }
0xe3: {  	v4 =	vmul.u32 $0x9E3779B1, v2;
	v2 =	vld [tilespmem:$0x1E0];
	v8 =	vmulhi.u32 $0x10624DD3, v0  }
.LBB2_2:
0xe4: {  	_ = 	snop  }
0xe5: {  	v3 =	vmul.u32 $0x9E3779B1, v3;
	v9 =	vmulhi.u32 $0x10624DD3, v4  }
0xe6: {  	v6 =	vmul.u32 $0x9E3779B1, v6;
	v8 =	vshrl.u32 v8, $0x6;
	v10 =	vmulhi.u32 $0x10624DD3, v1  }
0xe7: {  	v5 =	vmul.u32 $0x9E3779B1, v5;
	v13 =	vmulhi.u32 $0x10624DD3, v3;
	v58 =	vmul.u32 $0x3E8, v8  }
0xe8: {  	v9 =	vshrl.u32 v9, $0x6;
	v11 =	vmulhi.u32 $0x10624DD3, v6;
	v7 =	vmul.u32 $0x9E3779B1, v7  }
0xe9: {  	v10 =	vshrl.u32 v10, $0x6;
	v9 =	vmul.u32 $0x3E8, v9;
	v12 =	vmulhi.u32 $0x10624DD3, v5  }
0xea: {  	v54 =	vshrl.u32 v13, $0x6;
	v2 =	vmul.u32 $0x9E3779B1, v2;
	v56 =	vmul.u32 $0x3E8, v10  }
0xeb: {  	v0 =	vsub.s32 v0, v58;
	v11 =	vshrl.u32 v11, $0x6;
	v55 =	vmulhi.u32 $0x10624DD3, v7  }
0xec: {  	[tilespmem:$0x3F0] =	vst v0;
	v51 =	vsub.s32 v4, v9;
	v52 =	vmul.u32 $0x3E8, v11;
	v53 =	vshrl.u32 v12, $0x6  }
0xed: {  	v12 =	vmul.u32 $0x3E8, v54;
	v57 =	vmulhi.u32 $0x10624DD3, v2;
	v59 =	vsub.s32 v1, v56;
	[tilespmem:$0x3A0] =	vst v51  }
0xee: {  	v11 =	vmul.u32 $0x3E8, v53;
	v4 =	vshrl.u32 v55, $0x6;
	[tilespmem:$0x390] =	vst v59;
	v6 =	vsub.s32 v6, v52  }
0xef: {  	v3 =	vsub.s32 v3, v12;
	v4 =	vmul.u32 $0x3E8, v4;
	v60 =	vshrl.u32 v57, $0x6;
	[tilespmem:$0x3C0] =	vst v6  }
0xf0: {  	v5 =	vsub.s32 v5, v11;
	[tilespmem:$0x3B0] =	vst v3;
	v61 =	vmul.u32 $0x3E8, v60  }
0xf1: {  	[tilespmem:$0x3D0] =	vst v5;
	v62 =	vsub.s32 v7, v4  }
0xf2: {  	[tilespmem:$0x380] =	vst v62;
	v63 =	vsub.s32 v2, v61  }
0xf3: {  	[tilespmem:$0x3E0] =	vst v63  }
0xf4: {  	[tilespmem:s16], [sflag:$0x1] =	stream.indirect.gather [hbm4b:s3+s7], $0x80, s19, s7, $0xb8;
	[tilespmem:$0x10400] =	vst v63  }
0xf5: {  	_ =	swait.ge [sflag:s18], $0x4000  }
0xf6: {  	[sflag:s18] =	ssyncset.done $0x0  }
0xf7: {  	[sflag:s18] =	ssyncadd.s32 $0xFFFFC000  }
0xf8: {  	[hbm4b:s17+s2] =	stream.linear.scatter [tilespmem:s6], [sflag:$0x2], $0x4000, $0x38;
	[tilespmem:$0x10400] =	vst v63  }
0xf9: {  	_ =	swait.ge [sflag:s18], $0x4000  }
0xfa: {  	[sflag:s18] =	ssyncset.done $0x0  }
0xfb: {  	[sflag:s18] =	ssyncadd.s32 $0xFFFFC000  }
0xfc: {  	[hbm4b:s15+s2] =	stream.linear.scatter [tilespmem:s9], [sflag:$0x2], $0x4000, $0x38;
	[tilespmem:$0x10400] =	vst v63  }
0xfd: {  	_ =	swait.ge [sflag:s18], $0x4000  }
0xfe: {  	[sflag:s18] =	ssyncset.done $0x0  }
0xff: {  	[sflag:s18] =	ssyncadd.s32 $0xFFFFC000  }
0x100: {  	[hbm4b:s14+s2] =	stream.linear.scatter [tilespmem:s11], [sflag:$0x2], $0x4000, $0x38;
	[tilespmem:$0x10400] =	vst v63  }
0x101: {  	_ =	swait.ge [sflag:s18], $0x4000  }
0x102: {  	[sflag:s18] =	ssyncset.done $0x0  }
0x103: {  	[sflag:s18] =	ssyncadd.s32 $0xFFFFC000  }
0x104: {  	[hbm4b:s13+s2] =	stream.linear.scatter [tilespmem:s16], [sflag:$0x2], $0x4000, $0x38;
	[tilespmem:$0x10400] =	vst v63  }
0x105: {  	_ =	swait.ge [sflag:s12], $0x4000  }
0x106: {  	[sflag:s12] =	ssyncset.done $0x0  }
0x107: {  	[sflag:s12] =	ssyncadd.s32 $0xFFFFC000  }
0x108: {  	_ =	swait.ge [sflag:s12], $0x4000  }
0x109: {  	[sflag:s12] =	ssyncset.done $0x0  }
0x10a: {  	[sflag:s12] =	ssyncadd.s32 $0xFFFFC000  }
0x10b: {  	_ =	swait.ge [sflag:s12], $0x4000  }
0x10c: {  	[sflag:s12] =	ssyncset.done $0x0  }
0x10d: {  	[sflag:s12] =	ssyncadd.s32 $0xFFFFC000  }
0x10e: {  	_ =	swait.ge [sflag:s12], $0x4000  }
0x10f: {  	[sflag:s12] =	ssyncset.done $0x0  }
0x110: {  	[sflag:s12] =	ssyncadd.s32 $0xFFFFC000  }
0x111: {  	_ =	sfence.sel $0x180000  }
0x112: {  	[bflag:$0x0] =	sbarrier.arrive $0xFFFF  }
0x113: {  	p0 =	sne.s32 s0, $0x0;
	_ =	strace $0x90000047  }
0x114: {  	s0 =	sadd.s32 @!p0 $0x100000, s1;
	[bflag:$0x2] =	sbarrier.arrive $0xFFFF  }
0x115: {  	[sflag:s0] =	ssyncadd.tile.s32 @!p0 $0x1;
	_ =	shalt  }
.Lfunc_end2:
_tile_overlayer_lowered:
.L_overlay_start_2:
0x116: {  	(tag) =	ssettag $0x2  }
0x117: {  	s0 =	rddreg [dreg:$0x0];
	s2 =	stileid.u32  }
0x118: {  	s1 =	rddreg [dreg:$0x1];
	p0 =	sne.s32 s2, $0x0  }
0x119: {  	s3 =	rddreg [dreg:$0x2];
	[bflag:$0x3] =	sbarrier.arrive $0xFFFF;
	s2 =	simm.s32 @!p0 $0x1C03  }
0x11a: {  	[timem:s3], [sflag:s2] =	dma.local @!p0 [hbm:s0], s1  }
0x11b: {  	s0 =	simm.s32 @!p0 $0x3  }
0x11c: {  	_ =	swait.ge @!p0 [sflag:s0], s1  }
0x11d: {  	s1 =	ssub.s32 @!p0 $0x0, s1;
	[sflag:s0] =	ssyncset.done @!p0 $0x0  }
0x11e: {  	[sflag:s0] =	ssyncadd.s32 @!p0 s1  }
0x11f: {  	[bflag:$0x3] =	sbarrier.arrive $0xFFFF  }
0x120: {  	_ =	shalt  }

</sc_bundles>
